<compile_context>
chip_gen: v7x
topology: tpu7x:2x2x1
jax: 0.10.2.dev20260603
libtpu: 0.0.44.dev20260713+nightly
codegen_flags: <defaults>
</compile_context>

<pallas_src>
import functools

import jax
import jax.numpy as jnp
from jax import lax
from jax.experimental import pallas as pl
from jax.experimental.pallas import tpu as pltpu
from jax.experimental.pallas import tpu_sc as plsc

_N_NODES = 10000
_N_EDGES = 320000
_D = 128

_NC = 2
_NS = 16
_NW = _NC * _NS
_B_PER_W = _N_EDGES // _NW
_CHUNK = 128
_N_FULL = _B_PER_W // _CHUNK
_REM = _B_PER_W - _N_FULL * _CHUNK
_STAGE = 624


def _mm_body(x_ref, w_ref, y_ref):
    y_ref[...] = lax.dot_general(
        x_ref[...], w_ref[...],
        dimension_numbers=(((1,), (1,)), ((), ())),
        preferred_element_type=jnp.float32)


def _linear(x, W):
    return pl.pallas_call(
        _mm_body,
        grid=(2,),
        in_specs=[pl.BlockSpec((5000, _D), lambda i: (i, 0)),
                  pl.BlockSpec((_D, _D), lambda i: (0, 0))],
        out_specs=pl.BlockSpec((5000, _D), lambda i: (i, 0)),
        out_shape=jax.ShapeDtypeStruct((_N_NODES, _D), jnp.float32),
    )(x, W)


_mesh = plsc.VectorSubcoreMesh(core_axis_name="c", subcore_axis_name="s")


@functools.partial(
    pl.kernel,
    mesh=_mesh,
    out_type=jax.ShapeDtypeStruct((_N_EDGES, _D), jnp.float32),
    scratch_types=[
        pltpu.VMEM((_CHUNK,), jnp.int32),
        pltpu.VMEM((_CHUNK,), jnp.int32),
        pltpu.VMEM((_CHUNK,), jnp.int32),
        pltpu.VMEM((_CHUNK, _D), jnp.float32),
        pltpu.VMEM((_CHUNK, _D), jnp.float32),
        pltpu.VMEM((_CHUNK, _D), jnp.float32),
        pltpu.VMEM_SHARED((_N_NODES, _D), jnp.float32),
        pltpu.SemaphoreType.DMA,
        pltpu.SemaphoreType.DMA,
        pltpu.SemaphoreType.DMA,
        pltpu.SemaphoreType.DMA,
        pltpu.SemaphoreType.DMA,
        pltpu.SemaphoreType.DMA,
        pltpu.SemaphoreType.DMA,
        pltpu.SemaphoreType.DMA,
        pltpu.SemaphoreType.DMA,
    ],
)
def _gather_k(y_hbm, src_hbm, out_hbm, idx0, idx1, idx2,
              rows0, rows1, rows2, y_sp,
              ix0, ix1, ix2, in0, in1, in2, out0, out1, out2):
    wid = lax.axis_index("s") * _NC + lax.axis_index("c")
    base = wid * _B_PER_W
    sid = lax.axis_index("s")
    idx = (idx0, idx1, idx2)
    rows = (rows0, rows1, rows2)
    ix_sem = (ix0, ix1, ix2)
    in_sem = (in0, in1, in2)
    out_sem = (out0, out1, out2)

    def fire_idx(c, b, n=_CHUNK):
        return pltpu.async_copy(
            src_hbm.at[pl.ds(base + c * _CHUNK, n)],
            idx[b].at[pl.ds(0, n)], ix_sem[b])

    fire_idx(0, 0)
    fire_idx(1, 1)
    fire_idx(2, 2)

    pltpu.sync_copy(y_hbm.at[pl.ds(sid * _STAGE, _STAGE)],
                    y_sp.at[pl.ds(sid * _STAGE, _STAGE)])

    @pl.when(sid == _NS - 1)
    def _():
        pltpu.sync_copy(y_hbm.at[pl.ds(_NS * _STAGE, _N_NODES - _NS * _STAGE)],
                        y_sp.at[pl.ds(_NS * _STAGE, _N_NODES - _NS * _STAGE)])

    plsc.subcore_barrier()

    def wait_idx(b, n=_CHUNK):
        pltpu.make_async_copy(
            src_hbm.at[pl.ds(base, n)],
            idx[b].at[pl.ds(0, n)], ix_sem[b]).wait()

    def fire_gather(c, b, n=_CHUNK):
        return pltpu.async_copy(
            y_sp.at[idx[b].at[pl.ds(0, n)]],
            rows[b].at[pl.ds(0, n)], in_sem[b])

    def wait_gather(b, n=_CHUNK):
        pltpu.make_async_copy(
            y_sp.at[idx[b].at[pl.ds(0, n)]],
            rows[b].at[pl.ds(0, n)], in_sem[b]).wait()

    def fire_writeback(c, b, n=_CHUNK):
        return pltpu.async_copy(
            rows[b].at[pl.ds(0, n)],
            out_hbm.at[pl.ds(base + c * _CHUNK, n)], out_sem[b])

    def wait_writeback(b, n=_CHUNK):
        pltpu.make_async_copy(
            rows[b].at[pl.ds(0, n)],
            out_hbm.at[pl.ds(base, n)], out_sem[b]).wait()

    wait_idx(0)
    fire_gather(0, 0)
    wait_idx(1)
    fire_gather(1, 1)
    wait_gather(0)
    fire_writeback(0, 0)
    fire_idx(3, 0)
    wait_idx(2)
    fire_gather(2, 2)
    wait_gather(1)
    fire_writeback(1, 1)
    fire_idx(4, 1)

    def triple_body(i, carry):
        c0 = 3 + 3 * i
        for b in range(3):
            c = c0 + b
            pb = (b + 2) % 3
            wait_idx(b)
            wait_writeback(b)
            fire_gather(c, b)
            wait_gather(pb)
            fire_writeback(c - 1, pb)
            fire_idx(jnp.minimum(c + 2, _N_FULL - 1), pb)
        return carry

    lax.fori_loop(0, (_N_FULL - 3) // 3, triple_body, 0)

    wait_gather((_N_FULL - 1) % 3)
    fire_writeback(_N_FULL - 1, (_N_FULL - 1) % 3)
    wait_idx(0)
    fire_idx(_N_FULL, 0, _REM)
    wait_idx(0, _REM)
    wait_writeback(0)
    fire_gather(_N_FULL, 0, _REM)
    wait_gather(0, _REM)
    fire_writeback(_N_FULL, 0, _REM)
    wait_idx(1)
    wait_writeback(1)
    wait_writeback(2)
    wait_writeback(0, _REM)


def kernel(x, source, target, W):
    y = _linear(x, W)
    return _gather_k(y, source)

# --- scband reference (transcript-rebuilt; emitter-appended) ---
"""Pipeline reference for scband-linear-message-creator-78460462563615 (READ-ONLY COPY).

The authoritative reference and input builder live on the scoring server;
editing this copy changes nothing except your own understanding.
"""

import jax, jax.numpy as jnp
import numpy as np

N_NODES = 10000
N_EDGES = 320000
D_IN = 128
D_MSG = 128

def setup_inputs(seed: int = 0) -> dict:
    key = jax.random.key(seed)
    k_x, k_s, k_t, k_w = jax.random.split(key, 4)
    x = jax.random.normal(k_x, (N_NODES, D_IN), dtype=jnp.float32)
    source = jax.random.randint(k_s, (N_EDGES,), 0, N_NODES, dtype=jnp.int64 if jax.config.jax_enable_x64 else jnp.int32)
    target = jax.random.randint(k_t, (N_EDGES,), 0, N_NODES, dtype=jnp.int64 if jax.config.jax_enable_x64 else jnp.int32)
    # Learned parameter: nn.Linear(in_features=D_IN, out_features=D_MSG, bias=False)
    # PyTorch default init: uniform(-1/sqrt(fan_in), 1/sqrt(fan_in))
    bound = 1.0 / np.sqrt(D_IN)
    W = jax.random.uniform(k_w, (D_MSG, D_IN), dtype=jnp.float32, minval=-bound, maxval=bound)
    return {"x": x, "source": source, "target": target, "W": W}

def reference(x, source, target, W):
    # x = self.linear(x)  (no bias)
    y = x @ W.T
    # return x.index_select(dim=0, index=source)
    return jnp.take(y, source, axis=0)

if __name__ == "__main__":
    import jax
    _d = setup_inputs()
    print(jax.jit(kernel)(*tuple(_d.values())))

</pallas_src>

<mosaic_0001>
#map = affine_map<(d0, d1) -> (0, 0)>
#map1 = affine_map<(d0, d1) -> (0)>
module attributes {stable_mosaic.version = 14 : i64} {
  func.func @_gather_k(%arg0: i32, %arg1: i32, %arg2: memref<10000x128xf32, #tpu.memory_space<hbm>>, %arg3: memref<320000xi32, #tpu.memory_space<hbm>>, %arg4: memref<320000x128xf32, #tpu.memory_space<hbm>>, %arg5: memref<128xi32, #tpu.memory_space<vmem>>, %arg6: memref<128xi32, #tpu.memory_space<vmem>>, %arg7: memref<128xi32, #tpu.memory_space<vmem>>, %arg8: memref<128x128xf32, #tpu.memory_space<vmem>>, %arg9: memref<128x128xf32, #tpu.memory_space<vmem>>, %arg10: memref<128x128xf32, #tpu.memory_space<vmem>>, %arg11: memref<10000x128xf32, #tpu.memory_space<vmem_shared>>, %arg12: memref<!tpu.dma_semaphore, #tpu.memory_space<semaphore_mem>>, %arg13: memref<!tpu.dma_semaphore, #tpu.memory_space<semaphore_mem>>, %arg14: memref<!tpu.dma_semaphore, #tpu.memory_space<semaphore_mem>>, %arg15: memref<!tpu.dma_semaphore, #tpu.memory_space<semaphore_mem>>, %arg16: memref<!tpu.dma_semaphore, #tpu.memory_space<semaphore_mem>>, %arg17: memref<!tpu.dma_semaphore, #tpu.memory_space<semaphore_mem>>, %arg18: memref<!tpu.dma_semaphore, #tpu.memory_space<semaphore_mem>>, %arg19: memref<!tpu.dma_semaphore, #tpu.memory_space<semaphore_mem>>, %arg20: memref<!tpu.dma_semaphore, #tpu.memory_space<semaphore_mem>>) attributes {dimension_semantics = [#tpu.dimension_semantics<core_parallel>, #tpu.dimension_semantics<subcore_parallel>], iteration_bounds = array<i64: 2, 16>, scalar_prefetch = 0 : i64, scratch_operands = 16 : i64, tpu.core_type = #tpu.core_type<sc_vector_subcore>, window_params = [{transform_indices = #map}, {transform_indices = #map1}, {transform_indices = #map}]} {
    %mul3A = arith.constant 2 : i32
    %mul3A_0 = arith.muli %arg1, %mul3A : i32
    %add3A = arith.addi %mul3A_0, %arg0 : i32
    %mul3A_1 = arith.constant 10000 : i32
    %mul3A_2 = arith.muli %add3A, %mul3A_1 : i32
    %add3A_3 = arith.constant 0 : i32
    %add3A_4 = arith.addi %mul3A_2, %add3A_3 : i32
    %dma_start3A = arith.constant 0 : i32
    %dma_start3A_5 = tpu.memref_slice %arg5[%dma_start3A] : memref<128xi32, #tpu.memory_space<vmem>> -> memref<128xi32, #tpu.memory_space<vmem>>
    %dma_start3A_6 = tpu.memref_slice %arg3[%add3A_4] : memref<320000xi32, #tpu.memory_space<hbm>> -> memref<128xi32, #tpu.memory_space<hbm>>
    %dma_start3A_7 = arith.constant 0 : i32
    %dma_start3A_8 = tpu.memref_slice %arg5[%dma_start3A_7] : memref<128xi32, #tpu.memory_space<vmem>> -> memref<128xi32, #tpu.memory_space<vmem>>
    %dma_start3A_9 = tpu.memref_slice %arg3[%add3A_4] : memref<320000xi32, #tpu.memory_space<hbm>> -> memref<128xi32, #tpu.memory_space<hbm>>
    tpu.enqueue_dma source(%dma_start3A_9 : memref<128xi32, #tpu.memory_space<hbm>>) target(%dma_start3A_8 : memref<128xi32, #tpu.memory_space<vmem>>) target_semaphore(%arg12 : memref<!tpu.dma_semaphore, #tpu.memory_space<semaphore_mem>>)
    %add3A_10 = arith.constant 128 : i32
    %add3A_11 = arith.addi %mul3A_2, %add3A_10 : i32
    %dma_start3A_12 = arith.constant 0 : i32
    %dma_start3A_13 = tpu.memref_slice %arg6[%dma_start3A_12] : memref<128xi32, #tpu.memory_space<vmem>> -> memref<128xi32, #tpu.memory_space<vmem>>
    %dma_start3A_14 = tpu.memref_slice %arg3[%add3A_11] : memref<320000xi32, #tpu.memory_space<hbm>> -> memref<128xi32, #tpu.memory_space<hbm>>
    %dma_start3A_15 = arith.constant 0 : i32
    %dma_start3A_16 = tpu.memref_slice %arg6[%dma_start3A_15] : memref<128xi32, #tpu.memory_space<vmem>> -> memref<128xi32, #tpu.memory_space<vmem>>
    %dma_start3A_17 = tpu.memref_slice %arg3[%add3A_11] : memref<320000xi32, #tpu.memory_space<hbm>> -> memref<128xi32, #tpu.memory_space<hbm>>
    tpu.enqueue_dma source(%dma_start3A_17 : memref<128xi32, #tpu.memory_space<hbm>>) target(%dma_start3A_16 : memref<128xi32, #tpu.memory_space<vmem>>) target_semaphore(%arg13 : memref<!tpu.dma_semaphore, #tpu.memory_space<semaphore_mem>>)
    %add3A_18 = arith.constant 256 : i32
    %add3A_19 = arith.addi %mul3A_2, %add3A_18 : i32
    %dma_start3A_20 = arith.constant 0 : i32
    %dma_start3A_21 = tpu.memref_slice %arg7[%dma_start3A_20] : memref<128xi32, #tpu.memory_space<vmem>> -> memref<128xi32, #tpu.memory_space<vmem>>
    %dma_start3A_22 = tpu.memref_slice %arg3[%add3A_19] : memref<320000xi32, #tpu.memory_space<hbm>> -> memref<128xi32, #tpu.memory_space<hbm>>
    %dma_start3A_23 = arith.constant 0 : i32
    %dma_start3A_24 = tpu.memref_slice %arg7[%dma_start3A_23] : memref<128xi32, #tpu.memory_space<vmem>> -> memref<128xi32, #tpu.memory_space<vmem>>
    %dma_start3A_25 = tpu.memref_slice %arg3[%add3A_19] : memref<320000xi32, #tpu.memory_space<hbm>> -> memref<128xi32, #tpu.memory_space<hbm>>
    tpu.enqueue_dma source(%dma_start3A_25 : memref<128xi32, #tpu.memory_space<hbm>>) target(%dma_start3A_24 : memref<128xi32, #tpu.memory_space<vmem>>) target_semaphore(%arg14 : memref<!tpu.dma_semaphore, #tpu.memory_space<semaphore_mem>>)
    %mul3A_26 = arith.constant 624 : i32
    %mul3A_27 = arith.muli %arg1, %mul3A_26 : i32
    %mul3A_28 = arith.constant 624 : i32
    %mul3A_29 = arith.muli %arg1, %mul3A_28 : i32
    "tpu.region"() ({
      %run_scoped3A = tpu.sem_alloc : memref<!tpu.dma_semaphore, #tpu.memory_space<semaphore_mem>>
      %dma_start3A_248 = arith.constant 0 : i32
      %dma_start3A_249 = tpu.memref_slice %arg11[%mul3A_29, %dma_start3A_248] : memref<10000x128xf32, #tpu.memory_space<vmem_shared>> -> memref<624x128xf32, #tpu.memory_space<vmem_shared>>
      %dma_start3A_250 = arith.constant 0 : i32
      %dma_start3A_251 = tpu.memref_slice %arg2[%mul3A_27, %dma_start3A_250] : memref<10000x128xf32, #tpu.memory_space<hbm>> -> memref<624x128xf32, #tpu.memory_space<hbm>>
      tpu.enqueue_dma source(%dma_start3A_251 : memref<624x128xf32, #tpu.memory_space<hbm>>) target(%dma_start3A_249 : memref<624x128xf32, #tpu.memory_space<vmem_shared>>) target_semaphore(%run_scoped3A : memref<!tpu.dma_semaphore, #tpu.memory_space<semaphore_mem>>)
      %dma_wait3A_252 = arith.constant 0 : i32
      %dma_wait3A_253 = tpu.memref_slice %arg11[%mul3A_29, %dma_wait3A_252] : memref<10000x128xf32, #tpu.memory_space<vmem_shared>> -> memref<624x128xf32, #tpu.memory_space<vmem_shared>>
      %dma_wait3A_254 = arith.constant 0 : i32
      %dma_wait3A_255 = tpu.memref_slice %arg2[%mul3A_27, %dma_wait3A_254] : memref<10000x128xf32, #tpu.memory_space<hbm>> -> memref<624x128xf32, #tpu.memory_space<hbm>>
      tpu.wait_dma2 semaphore(%run_scoped3A : memref<!tpu.dma_semaphore, #tpu.memory_space<semaphore_mem>>) src(%dma_wait3A_255 : memref<624x128xf32, #tpu.memory_space<hbm>>) dst(%dma_wait3A_253 : memref<624x128xf32, #tpu.memory_space<vmem_shared>>)
      tpu.yield
    }) : () -> ()
    %eq3A = arith.constant 15 : i32
    %eq3A_30 = arith.cmpi eq, %arg1, %eq3A : i32
    %convert_element_type3A = arith.extui %eq3A_30 : i1 to i32
    %cond3A = arith.constant 0 : i32
    %cond3A_31 = arith.cmpi ne, %convert_element_type3A, %cond3A : i32
    scf.if %cond3A_31 {
      "tpu.region"() ({
        %run_scoped3A = tpu.sem_alloc : memref<!tpu.dma_semaphore, #tpu.memory_space<semaphore_mem>>
        %dma_start3A_248 = arith.constant 9984 : i32
        %dma_start3A_249 = arith.constant 0 : i32
        %dma_start3A_250 = tpu.memref_slice %arg11[%dma_start3A_248, %dma_start3A_249] : memref<10000x128xf32, #tpu.memory_space<vmem_shared>> -> memref<16x128xf32, #tpu.memory_space<vmem_shared>>
        %dma_start3A_251 = arith.constant 9984 : i32
        %dma_start3A_252 = arith.constant 0 : i32
        %dma_start3A_253 = tpu.memref_slice %arg2[%dma_start3A_251, %dma_start3A_252] : memref<10000x128xf32, #tpu.memory_space<hbm>> -> memref<16x128xf32, #tpu.memory_space<hbm>>
        tpu.enqueue_dma source(%dma_start3A_253 : memref<16x128xf32, #tpu.memory_space<hbm>>) target(%dma_start3A_250 : memref<16x128xf32, #tpu.memory_space<vmem_shared>>) target_semaphore(%run_scoped3A : memref<!tpu.dma_semaphore, #tpu.memory_space<semaphore_mem>>)
        %dma_wait3A_254 = arith.constant 9984 : i32
        %dma_wait3A_255 = arith.constant 0 : i32
        %dma_wait3A_256 = tpu.memref_slice %arg11[%dma_wait3A_254, %dma_wait3A_255] : memref<10000x128xf32, #tpu.memory_space<vmem_shared>> -> memref<16x128xf32, #tpu.memory_space<vmem_shared>>
        %dma_wait3A_257 = arith.constant 9984 : i32
        %dma_wait3A_258 = arith.constant 0 : i32
        %dma_wait3A_259 = tpu.memref_slice %arg2[%dma_wait3A_257, %dma_wait3A_258] : memref<10000x128xf32, #tpu.memory_space<hbm>> -> memref<16x128xf32, #tpu.memory_space<hbm>>
        tpu.wait_dma2 semaphore(%run_scoped3A : memref<!tpu.dma_semaphore, #tpu.memory_space<semaphore_mem>>) src(%dma_wait3A_259 : memref<16x128xf32, #tpu.memory_space<hbm>>) dst(%dma_wait3A_256 : memref<16x128xf32, #tpu.memory_space<vmem_shared>>)
        tpu.yield
      }) : () -> ()
    } else {
    }
    %barrier3A = arith.constant 0 : index
    tpu.barrier barrier_id(%barrier3A)
    %dma_wait3A = arith.constant 0 : i32
    %dma_wait3A_32 = tpu.memref_slice %arg5[%dma_wait3A] : memref<128xi32, #tpu.memory_space<vmem>> -> memref<128xi32, #tpu.memory_space<vmem>>
    %dma_wait3A_33 = tpu.memref_slice %arg3[%mul3A_2] : memref<320000xi32, #tpu.memory_space<hbm>> -> memref<128xi32, #tpu.memory_space<hbm>>
    %dma_wait3A_34 = arith.constant 0 : i32
    %dma_wait3A_35 = tpu.memref_slice %arg5[%dma_wait3A_34] : memref<128xi32, #tpu.memory_space<vmem>> -> memref<128xi32, #tpu.memory_space<vmem>>
    %dma_wait3A_36 = tpu.memref_slice %arg3[%mul3A_2] : memref<320000xi32, #tpu.memory_space<hbm>> -> memref<128xi32, #tpu.memory_space<hbm>>
    tpu.wait_dma2 semaphore(%arg12 : memref<!tpu.dma_semaphore, #tpu.memory_space<semaphore_mem>>) src(%dma_wait3A_36 : memref<128xi32, #tpu.memory_space<hbm>>) dst(%dma_wait3A_35 : memref<128xi32, #tpu.memory_space<vmem>>)
    %dma_start3A_37 = arith.constant 0 : i32
    %dma_start3A_38 = arith.constant 0 : i32
    %dma_start3A_39 = tpu.memref_slice %arg8[%dma_start3A_37, %dma_start3A_38] : memref<128x128xf32, #tpu.memory_space<vmem>> -> memref<128x128xf32, #tpu.memory_space<vmem>>
    %dma_start3A_40 = arith.constant 0 : i32
    %dma_start3A_41 = tpu.memref_slice %arg5[%dma_start3A_40] : memref<128xi32, #tpu.memory_space<vmem>> -> memref<128xi32, #tpu.memory_space<vmem>>
    %dma_start3A_42 = arith.constant 0 : i32
    %dma_start3A_43 = arith.constant 0 : i32
    %dma_start3A_44 = tpu.memref_slice %arg11[%dma_start3A_42, %dma_start3A_43] : memref<10000x128xf32, #tpu.memory_space<vmem_shared>> -> memref<10000x128xf32, #tpu.memory_space<vmem_shared>>
    tpu.enqueue_indirect_dma source(%dma_start3A_44 : memref<10000x128xf32, #tpu.memory_space<vmem_shared>>) target(%dma_start3A_39 : memref<128x128xf32, #tpu.memory_space<vmem>>) offsets(%dma_start3A_41 : memref<128xi32, #tpu.memory_space<vmem>>) semaphore(%arg15 : memref<!tpu.dma_semaphore, #tpu.memory_space<semaphore_mem>>)
    %dma_wait3A_45 = arith.constant 0 : i32
    %dma_wait3A_46 = tpu.memref_slice %arg6[%dma_wait3A_45] : memref<128xi32, #tpu.memory_space<vmem>> -> memref<128xi32, #tpu.memory_space<vmem>>
    %dma_wait3A_47 = tpu.memref_slice %arg3[%mul3A_2] : memref<320000xi32, #tpu.memory_space<hbm>> -> memref<128xi32, #tpu.memory_space<hbm>>
    %dma_wait3A_48 = arith.constant 0 : i32
    %dma_wait3A_49 = tpu.memref_slice %arg6[%dma_wait3A_48] : memref<128xi32, #tpu.memory_space<vmem>> -> memref<128xi32, #tpu.memory_space<vmem>>
    %dma_wait3A_50 = tpu.memref_slice %arg3[%mul3A_2] : memref<320000xi32, #tpu.memory_space<hbm>> -> memref<128xi32, #tpu.memory_space<hbm>>
    tpu.wait_dma2 semaphore(%arg13 : memref<!tpu.dma_semaphore, #tpu.memory_space<semaphore_mem>>) src(%dma_wait3A_50 : memref<128xi32, #tpu.memory_space<hbm>>) dst(%dma_wait3A_49 : memref<128xi32, #tpu.memory_space<vmem>>)
    %dma_start3A_51 = arith.constant 0 : i32
    %dma_start3A_52 = arith.constant 0 : i32
    %dma_start3A_53 = tpu.memref_slice %arg9[%dma_start3A_51, %dma_start3A_52] : memref<128x128xf32, #tpu.memory_space<vmem>> -> memref<128x128xf32, #tpu.memory_space<vmem>>
    %dma_start3A_54 = arith.constant 0 : i32
    %dma_start3A_55 = tpu.memref_slice %arg6[%dma_start3A_54] : memref<128xi32, #tpu.memory_space<vmem>> -> memref<128xi32, #tpu.memory_space<vmem>>
    %dma_start3A_56 = arith.constant 0 : i32
    %dma_start3A_57 = arith.constant 0 : i32
    %dma_start3A_58 = tpu.memref_slice %arg11[%dma_start3A_56, %dma_start3A_57] : memref<10000x128xf32, #tpu.memory_space<vmem_shared>> -> memref<10000x128xf32, #tpu.memory_space<vmem_shared>>
    tpu.enqueue_indirect_dma source(%dma_start3A_58 : memref<10000x128xf32, #tpu.memory_space<vmem_shared>>) target(%dma_start3A_53 : memref<128x128xf32, #tpu.memory_space<vmem>>) offsets(%dma_start3A_55 : memref<128xi32, #tpu.memory_space<vmem>>) semaphore(%arg16 : memref<!tpu.dma_semaphore, #tpu.memory_space<semaphore_mem>>)
    %dma_wait3A_59 = arith.constant 0 : i32
    %dma_wait3A_60 = arith.constant 0 : i32
    %dma_wait3A_61 = tpu.memref_slice %arg8[%dma_wait3A_59, %dma_wait3A_60] : memref<128x128xf32, #tpu.memory_space<vmem>> -> memref<128x128xf32, #tpu.memory_space<vmem>>
    %dma_wait3A_62 = arith.constant 0 : i32
    %dma_wait3A_63 = tpu.memref_slice %arg5[%dma_wait3A_62] : memref<128xi32, #tpu.memory_space<vmem>> -> memref<128xi32, #tpu.memory_space<vmem>>
    %dma_wait3A_64 = arith.constant 0 : i32
    %dma_wait3A_65 = arith.constant 0 : i32
    %dma_wait3A_66 = tpu.memref_slice %arg11[%dma_wait3A_64, %dma_wait3A_65] : memref<10000x128xf32, #tpu.memory_space<vmem_shared>> -> memref<10000x128xf32, #tpu.memory_space<vmem_shared>>
    tpu.wait_indirect_dma semaphore(%arg15 : memref<!tpu.dma_semaphore, #tpu.memory_space<semaphore_mem>>) src(%dma_wait3A_66 : memref<10000x128xf32, #tpu.memory_space<vmem_shared>>) dst(%dma_wait3A_61 : memref<128x128xf32, #tpu.memory_space<vmem>>)
    %add3A_67 = arith.constant 0 : i32
    %add3A_68 = arith.addi %mul3A_2, %add3A_67 : i32
    %dma_start3A_69 = arith.constant 0 : i32
    %dma_start3A_70 = arith.constant 0 : i32
    %dma_start3A_71 = tpu.memref_slice %arg8[%dma_start3A_69, %dma_start3A_70] : memref<128x128xf32, #tpu.memory_space<vmem>> -> memref<128x128xf32, #tpu.memory_space<vmem>>
    %dma_start3A_72 = arith.constant 0 : i32
    %dma_start3A_73 = tpu.memref_slice %arg4[%add3A_68, %dma_start3A_72] : memref<320000x128xf32, #tpu.memory_space<hbm>> -> memref<128x128xf32, #tpu.memory_space<hbm>>
    %dma_start3A_74 = arith.constant 0 : i32
    %dma_start3A_75 = tpu.memref_slice %arg4[%add3A_68, %dma_start3A_74] : memref<320000x128xf32, #tpu.memory_space<hbm>> -> memref<128x128xf32, #tpu.memory_space<hbm>>
    %dma_start3A_76 = arith.constant 0 : i32
    %dma_start3A_77 = arith.constant 0 : i32
    %dma_start3A_78 = tpu.memref_slice %arg8[%dma_start3A_76, %dma_start3A_77] : memref<128x128xf32, #tpu.memory_space<vmem>> -> memref<128x128xf32, #tpu.memory_space<vmem>>
    tpu.enqueue_dma source(%dma_start3A_78 : memref<128x128xf32, #tpu.memory_space<vmem>>) target(%dma_start3A_75 : memref<128x128xf32, #tpu.memory_space<hbm>>) target_semaphore(%arg18 : memref<!tpu.dma_semaphore, #tpu.memory_space<semaphore_mem>>)
    %add3A_79 = arith.constant 384 : i32
    %add3A_80 = arith.addi %mul3A_2, %add3A_79 : i32
    %dma_start3A_81 = arith.constant 0 : i32
    %dma_start3A_82 = tpu.memref_slice %arg5[%dma_start3A_81] : memref<128xi32, #tpu.memory_space<vmem>> -> memref<128xi32, #tpu.memory_space<vmem>>
    %dma_start3A_83 = tpu.memref_slice %arg3[%add3A_80] : memref<320000xi32, #tpu.memory_space<hbm>> -> memref<128xi32, #tpu.memory_space<hbm>>
    %dma_start3A_84 = arith.constant 0 : i32
    %dma_start3A_85 = tpu.memref_slice %arg5[%dma_start3A_84] : memref<128xi32, #tpu.memory_space<vmem>> -> memref<128xi32, #tpu.memory_space<vmem>>
    %dma_start3A_86 = tpu.memref_slice %arg3[%add3A_80] : memref<320000xi32, #tpu.memory_space<hbm>> -> memref<128xi32, #tpu.memory_space<hbm>>
    tpu.enqueue_dma source(%dma_start3A_86 : memref<128xi32, #tpu.memory_space<hbm>>) target(%dma_start3A_85 : memref<128xi32, #tpu.memory_space<vmem>>) target_semaphore(%arg12 : memref<!tpu.dma_semaphore, #tpu.memory_space<semaphore_mem>>)
    %dma_wait3A_87 = arith.constant 0 : i32
    %dma_wait3A_88 = tpu.memref_slice %arg7[%dma_wait3A_87] : memref<128xi32, #tpu.memory_space<vmem>> -> memref<128xi32, #tpu.memory_space<vmem>>
    %dma_wait3A_89 = tpu.memref_slice %arg3[%mul3A_2] : memref<320000xi32, #tpu.memory_space<hbm>> -> memref<128xi32, #tpu.memory_space<hbm>>
    %dma_wait3A_90 = arith.constant 0 : i32
    %dma_wait3A_91 = tpu.memref_slice %arg7[%dma_wait3A_90] : memref<128xi32, #tpu.memory_space<vmem>> -> memref<128xi32, #tpu.memory_space<vmem>>
    %dma_wait3A_92 = tpu.memref_slice %arg3[%mul3A_2] : memref<320000xi32, #tpu.memory_space<hbm>> -> memref<128xi32, #tpu.memory_space<hbm>>
    tpu.wait_dma2 semaphore(%arg14 : memref<!tpu.dma_semaphore, #tpu.memory_space<semaphore_mem>>) src(%dma_wait3A_92 : memref<128xi32, #tpu.memory_space<hbm>>) dst(%dma_wait3A_91 : memref<128xi32, #tpu.memory_space<vmem>>)
    %dma_start3A_93 = arith.constant 0 : i32
    %dma_start3A_94 = arith.constant 0 : i32
    %dma_start3A_95 = tpu.memref_slice %arg10[%dma_start3A_93, %dma_start3A_94] : memref<128x128xf32, #tpu.memory_space<vmem>> -> memref<128x128xf32, #tpu.memory_space<vmem>>
    %dma_start3A_96 = arith.constant 0 : i32
    %dma_start3A_97 = tpu.memref_slice %arg7[%dma_start3A_96] : memref<128xi32, #tpu.memory_space<vmem>> -> memref<128xi32, #tpu.memory_space<vmem>>
    %dma_start3A_98 = arith.constant 0 : i32
    %dma_start3A_99 = arith.constant 0 : i32
    %dma_start3A_100 = tpu.memref_slice %arg11[%dma_start3A_98, %dma_start3A_99] : memref<10000x128xf32, #tpu.memory_space<vmem_shared>> -> memref<10000x128xf32, #tpu.memory_space<vmem_shared>>
    tpu.enqueue_indirect_dma source(%dma_start3A_100 : memref<10000x128xf32, #tpu.memory_space<vmem_shared>>) target(%dma_start3A_95 : memref<128x128xf32, #tpu.memory_space<vmem>>) offsets(%dma_start3A_97 : memref<128xi32, #tpu.memory_space<vmem>>) semaphore(%arg17 : memref<!tpu.dma_semaphore, #tpu.memory_space<semaphore_mem>>)
    %dma_wait3A_101 = arith.constant 0 : i32
    %dma_wait3A_102 = arith.constant 0 : i32
    %dma_wait3A_103 = tpu.memref_slice %arg9[%dma_wait3A_101, %dma_wait3A_102] : memref<128x128xf32, #tpu.memory_space<vmem>> -> memref<128x128xf32, #tpu.memory_space<vmem>>
    %dma_wait3A_104 = arith.constant 0 : i32
    %dma_wait3A_105 = tpu.memref_slice %arg6[%dma_wait3A_104] : memref<128xi32, #tpu.memory_space<vmem>> -> memref<128xi32, #tpu.memory_space<vmem>>
    %dma_wait3A_106 = arith.constant 0 : i32
    %dma_wait3A_107 = arith.constant 0 : i32
    %dma_wait3A_108 = tpu.memref_slice %arg11[%dma_wait3A_106, %dma_wait3A_107] : memref<10000x128xf32, #tpu.memory_space<vmem_shared>> -> memref<10000x128xf32, #tpu.memory_space<vmem_shared>>
    tpu.wait_indirect_dma semaphore(%arg16 : memref<!tpu.dma_semaphore, #tpu.memory_space<semaphore_mem>>) src(%dma_wait3A_108 : memref<10000x128xf32, #tpu.memory_space<vmem_shared>>) dst(%dma_wait3A_103 : memref<128x128xf32, #tpu.memory_space<vmem>>)
    %add3A_109 = arith.constant 128 : i32
    %add3A_110 = arith.addi %mul3A_2, %add3A_109 : i32
    %dma_start3A_111 = arith.constant 0 : i32
    %dma_start3A_112 = arith.constant 0 : i32
    %dma_start3A_113 = tpu.memref_slice %arg9[%dma_start3A_111, %dma_start3A_112] : memref<128x128xf32, #tpu.memory_space<vmem>> -> memref<128x128xf32, #tpu.memory_space<vmem>>
    %dma_start3A_114 = arith.constant 0 : i32
    %dma_start3A_115 = tpu.memref_slice %arg4[%add3A_110, %dma_start3A_114] : memref<320000x128xf32, #tpu.memory_space<hbm>> -> memref<128x128xf32, #tpu.memory_space<hbm>>
    %dma_start3A_116 = arith.constant 0 : i32
    %dma_start3A_117 = tpu.memref_slice %arg4[%add3A_110, %dma_start3A_116] : memref<320000x128xf32, #tpu.memory_space<hbm>> -> memref<128x128xf32, #tpu.memory_space<hbm>>
    %dma_start3A_118 = arith.constant 0 : i32
    %dma_start3A_119 = arith.constant 0 : i32
    %dma_start3A_120 = tpu.memref_slice %arg9[%dma_start3A_118, %dma_start3A_119] : memref<128x128xf32, #tpu.memory_space<vmem>> -> memref<128x128xf32, #tpu.memory_space<vmem>>
    tpu.enqueue_dma source(%dma_start3A_120 : memref<128x128xf32, #tpu.memory_space<vmem>>) target(%dma_start3A_117 : memref<128x128xf32, #tpu.memory_space<hbm>>) target_semaphore(%arg19 : memref<!tpu.dma_semaphore, #tpu.memory_space<semaphore_mem>>)
    %add3A_121 = arith.constant 512 : i32
    %add3A_122 = arith.addi %mul3A_2, %add3A_121 : i32
    %dma_start3A_123 = arith.constant 0 : i32
    %dma_start3A_124 = tpu.memref_slice %arg6[%dma_start3A_123] : memref<128xi32, #tpu.memory_space<vmem>> -> memref<128xi32, #tpu.memory_space<vmem>>
    %dma_start3A_125 = tpu.memref_slice %arg3[%add3A_122] : memref<320000xi32, #tpu.memory_space<hbm>> -> memref<128xi32, #tpu.memory_space<hbm>>
    %dma_start3A_126 = arith.constant 0 : i32
    %dma_start3A_127 = tpu.memref_slice %arg6[%dma_start3A_126] : memref<128xi32, #tpu.memory_space<vmem>> -> memref<128xi32, #tpu.memory_space<vmem>>
    %dma_start3A_128 = tpu.memref_slice %arg3[%add3A_122] : memref<320000xi32, #tpu.memory_space<hbm>> -> memref<128xi32, #tpu.memory_space<hbm>>
    tpu.enqueue_dma source(%dma_start3A_128 : memref<128xi32, #tpu.memory_space<hbm>>) target(%dma_start3A_127 : memref<128xi32, #tpu.memory_space<vmem>>) target_semaphore(%arg13 : memref<!tpu.dma_semaphore, #tpu.memory_space<semaphore_mem>>)
    %scan3A = arith.constant 0 : i32
    %scan3A_129 = arith.constant 0 : i32
    %scan3A_130 = arith.constant 25 : i32
    %scan3A_131 = arith.addi %scan3A_129, %scan3A_130 : i32
    %scan3A_132 = arith.constant 1 : i32
    scf.for %scan3A_248 = %scan3A_129 to %scan3A_131 step %scan3A_132  : i32 {
      %mul3A_249 = arith.constant 3 : i32
      %mul3A_250 = arith.muli %mul3A_249, %scan3A_248 : i32
      %add3A_251 = arith.constant 3 : i32
      %add3A_252 = arith.addi %add3A_251, %mul3A_250 : i32
      %add3A_253 = arith.constant 0 : i32
      %add3A_254 = arith.addi %add3A_252, %add3A_253 : i32
      %dma_wait3A_255 = arith.constant 0 : i32
      %dma_wait3A_256 = tpu.memref_slice %arg5[%dma_wait3A_255] : memref<128xi32, #tpu.memory_space<vmem>> -> memref<128xi32, #tpu.memory_space<vmem>>
      %dma_wait3A_257 = tpu.memref_slice %arg3[%mul3A_2] : memref<320000xi32, #tpu.memory_space<hbm>> -> memref<128xi32, #tpu.memory_space<hbm>>
      %dma_wait3A_258 = arith.constant 0 : i32
      %dma_wait3A_259 = tpu.memref_slice %arg5[%dma_wait3A_258] : memref<128xi32, #tpu.memory_space<vmem>> -> memref<128xi32, #tpu.memory_space<vmem>>
      %dma_wait3A_260 = tpu.memref_slice %arg3[%mul3A_2] : memref<320000xi32, #tpu.memory_space<hbm>> -> memref<128xi32, #tpu.memory_space<hbm>>
      tpu.wait_dma2 semaphore(%arg12 : memref<!tpu.dma_semaphore, #tpu.memory_space<semaphore_mem>>) src(%dma_wait3A_260 : memref<128xi32, #tpu.memory_space<hbm>>) dst(%dma_wait3A_259 : memref<128xi32, #tpu.memory_space<vmem>>)
      %dma_wait3A_261 = arith.constant 0 : i32
      %dma_wait3A_262 = arith.constant 0 : i32
      %dma_wait3A_263 = tpu.memref_slice %arg8[%dma_wait3A_261, %dma_wait3A_262] : memref<128x128xf32, #tpu.memory_space<vmem>> -> memref<128x128xf32, #tpu.memory_space<vmem>>
      %dma_wait3A_264 = arith.constant 0 : i32
      %dma_wait3A_265 = tpu.memref_slice %arg4[%mul3A_2, %dma_wait3A_264] : memref<320000x128xf32, #tpu.memory_space<hbm>> -> memref<128x128xf32, #tpu.memory_space<hbm>>
      %dma_wait3A_266 = arith.constant 0 : i32
      %dma_wait3A_267 = tpu.memref_slice %arg4[%mul3A_2, %dma_wait3A_266] : memref<320000x128xf32, #tpu.memory_space<hbm>> -> memref<128x128xf32, #tpu.memory_space<hbm>>
      %dma_wait3A_268 = arith.constant 0 : i32
      %dma_wait3A_269 = arith.constant 0 : i32
      %dma_wait3A_270 = tpu.memref_slice %arg8[%dma_wait3A_268, %dma_wait3A_269] : memref<128x128xf32, #tpu.memory_space<vmem>> -> memref<128x128xf32, #tpu.memory_space<vmem>>
      tpu.wait_dma2 semaphore(%arg18 : memref<!tpu.dma_semaphore, #tpu.memory_space<semaphore_mem>>) src(%dma_wait3A_270 : memref<128x128xf32, #tpu.memory_space<vmem>>) dst(%dma_wait3A_267 : memref<128x128xf32, #tpu.memory_space<hbm>>)
      %dma_start3A_271 = arith.constant 0 : i32
      %dma_start3A_272 = arith.constant 0 : i32
      %dma_start3A_273 = tpu.memref_slice %arg8[%dma_start3A_271, %dma_start3A_272] : memref<128x128xf32, #tpu.memory_space<vmem>> -> memref<128x128xf32, #tpu.memory_space<vmem>>
      %dma_start3A_274 = arith.constant 0 : i32
      %dma_start3A_275 = tpu.memref_slice %arg5[%dma_start3A_274] : memref<128xi32, #tpu.memory_space<vmem>> -> memref<128xi32, #tpu.memory_space<vmem>>
      %dma_start3A_276 = arith.constant 0 : i32
      %dma_start3A_277 = arith.constant 0 : i32
      %dma_start3A_278 = tpu.memref_slice %arg11[%dma_start3A_276, %dma_start3A_277] : memref<10000x128xf32, #tpu.memory_space<vmem_shared>> -> memref<10000x128xf32, #tpu.memory_space<vmem_shared>>
      tpu.enqueue_indirect_dma source(%dma_start3A_278 : memref<10000x128xf32, #tpu.memory_space<vmem_shared>>) target(%dma_start3A_273 : memref<128x128xf32, #tpu.memory_space<vmem>>) offsets(%dma_start3A_275 : memref<128xi32, #tpu.memory_space<vmem>>) semaphore(%arg15 : memref<!tpu.dma_semaphore, #tpu.memory_space<semaphore_mem>>)
      %dma_wait3A_279 = arith.constant 0 : i32
      %dma_wait3A_280 = arith.constant 0 : i32
      %dma_wait3A_281 = tpu.memref_slice %arg10[%dma_wait3A_279, %dma_wait3A_280] : memref<128x128xf32, #tpu.memory_space<vmem>> -> memref<128x128xf32, #tpu.memory_space<vmem>>
      %dma_wait3A_282 = arith.constant 0 : i32
      %dma_wait3A_283 = tpu.memref_slice %arg7[%dma_wait3A_282] : memref<128xi32, #tpu.memory_space<vmem>> -> memref<128xi32, #tpu.memory_space<vmem>>
      %dma_wait3A_284 = arith.constant 0 : i32
      %dma_wait3A_285 = arith.constant 0 : i32
      %dma_wait3A_286 = tpu.memref_slice %arg11[%dma_wait3A_284, %dma_wait3A_285] : memref<10000x128xf32, #tpu.memory_space<vmem_shared>> -> memref<10000x128xf32, #tpu.memory_space<vmem_shared>>
      tpu.wait_indirect_dma semaphore(%arg17 : memref<!tpu.dma_semaphore, #tpu.memory_space<semaphore_mem>>) src(%dma_wait3A_286 : memref<10000x128xf32, #tpu.memory_space<vmem_shared>>) dst(%dma_wait3A_281 : memref<128x128xf32, #tpu.memory_space<vmem>>)
      %sub3A = arith.constant 1 : i32
      %sub3A_287 = arith.subi %add3A_254, %sub3A : i32
      %mul3A_288 = arith.constant 128 : i32
      %mul3A_289 = arith.muli %sub3A_287, %mul3A_288 : i32
      %add3A_290 = arith.addi %mul3A_2, %mul3A_289 : i32
      %dma_start3A_291 = arith.constant 0 : i32
      %dma_start3A_292 = arith.constant 0 : i32
      %dma_start3A_293 = tpu.memref_slice %arg10[%dma_start3A_291, %dma_start3A_292] : memref<128x128xf32, #tpu.memory_space<vmem>> -> memref<128x128xf32, #tpu.memory_space<vmem>>
      %dma_start3A_294 = arith.constant 0 : i32
      %dma_start3A_295 = tpu.memref_slice %arg4[%add3A_290, %dma_start3A_294] : memref<320000x128xf32, #tpu.memory_space<hbm>> -> memref<128x128xf32, #tpu.memory_space<hbm>>
      %dma_start3A_296 = arith.constant 0 : i32
      %dma_start3A_297 = tpu.memref_slice %arg4[%add3A_290, %dma_start3A_296] : memref<320000x128xf32, #tpu.memory_space<hbm>> -> memref<128x128xf32, #tpu.memory_space<hbm>>
      %dma_start3A_298 = arith.constant 0 : i32
      %dma_start3A_299 = arith.constant 0 : i32
      %dma_start3A_300 = tpu.memref_slice %arg10[%dma_start3A_298, %dma_start3A_299] : memref<128x128xf32, #tpu.memory_space<vmem>> -> memref<128x128xf32, #tpu.memory_space<vmem>>
      tpu.enqueue_dma source(%dma_start3A_300 : memref<128x128xf32, #tpu.memory_space<vmem>>) target(%dma_start3A_297 : memref<128x128xf32, #tpu.memory_space<hbm>>) target_semaphore(%arg20 : memref<!tpu.dma_semaphore, #tpu.memory_space<semaphore_mem>>)
      %add3A_301 = arith.constant 2 : i32
      %add3A_302 = arith.addi %add3A_254, %add3A_301 : i32
      %min3A = arith.constant 77 : i32
      %min3A_303 = arith.minsi %add3A_302, %min3A : i32
      %mul3A_304 = arith.constant 128 : i32
      %mul3A_305 = arith.muli %min3A_303, %mul3A_304 : i32
      %add3A_306 = arith.addi %mul3A_2, %mul3A_305 : i32
      %dma_start3A_307 = arith.constant 0 : i32
      %dma_start3A_308 = tpu.memref_slice %arg7[%dma_start3A_307] : memref<128xi32, #tpu.memory_space<vmem>> -> memref<128xi32, #tpu.memory_space<vmem>>
      %dma_start3A_309 = tpu.memref_slice %arg3[%add3A_306] : memref<320000xi32, #tpu.memory_space<hbm>> -> memref<128xi32, #tpu.memory_space<hbm>>
      %dma_start3A_310 = arith.constant 0 : i32
      %dma_start3A_311 = tpu.memref_slice %arg7[%dma_start3A_310] : memref<128xi32, #tpu.memory_space<vmem>> -> memref<128xi32, #tpu.memory_space<vmem>>
      %dma_start3A_312 = tpu.memref_slice %arg3[%add3A_306] : memref<320000xi32, #tpu.memory_space<hbm>> -> memref<128xi32, #tpu.memory_space<hbm>>
      tpu.enqueue_dma source(%dma_start3A_312 : memref<128xi32, #tpu.memory_space<hbm>>) target(%dma_start3A_311 : memref<128xi32, #tpu.memory_space<vmem>>) target_semaphore(%arg14 : memref<!tpu.dma_semaphore, #tpu.memory_space<semaphore_mem>>)
      %add3A_313 = arith.constant 1 : i32
      %add3A_314 = arith.addi %add3A_252, %add3A_313 : i32
      %dma_wait3A_315 = arith.constant 0 : i32
      %dma_wait3A_316 = tpu.memref_slice %arg6[%dma_wait3A_315] : memref<128xi32, #tpu.memory_space<vmem>> -> memref<128xi32, #tpu.memory_space<vmem>>
      %dma_wait3A_317 = tpu.memref_slice %arg3[%mul3A_2] : memref<320000xi32, #tpu.memory_space<hbm>> -> memref<128xi32, #tpu.memory_space<hbm>>
      %dma_wait3A_318 = arith.constant 0 : i32
      %dma_wait3A_319 = tpu.memref_slice %arg6[%dma_wait3A_318] : memref<128xi32, #tpu.memory_space<vmem>> -> memref<128xi32, #tpu.memory_space<vmem>>
      %dma_wait3A_320 = tpu.memref_slice %arg3[%mul3A_2] : memref<320000xi32, #tpu.memory_space<hbm>> -> memref<128xi32, #tpu.memory_space<hbm>>
      tpu.wait_dma2 semaphore(%arg13 : memref<!tpu.dma_semaphore, #tpu.memory_space<semaphore_mem>>) src(%dma_wait3A_320 : memref<128xi32, #tpu.memory_space<hbm>>) dst(%dma_wait3A_319 : memref<128xi32, #tpu.memory_space<vmem>>)
      %dma_wait3A_321 = arith.constant 0 : i32
      %dma_wait3A_322 = arith.constant 0 : i32
      %dma_wait3A_323 = tpu.memref_slice %arg9[%dma_wait3A_321, %dma_wait3A_322] : memref<128x128xf32, #tpu.memory_space<vmem>> -> memref<128x128xf32, #tpu.memory_space<vmem>>
      %dma_wait3A_324 = arith.constant 0 : i32
      %dma_wait3A_325 = tpu.memref_slice %arg4[%mul3A_2, %dma_wait3A_324] : memref<320000x128xf32, #tpu.memory_space<hbm>> -> memref<128x128xf32, #tpu.memory_space<hbm>>
      %dma_wait3A_326 = arith.constant 0 : i32
      %dma_wait3A_327 = tpu.memref_slice %arg4[%mul3A_2, %dma_wait3A_326] : memref<320000x128xf32, #tpu.memory_space<hbm>> -> memref<128x128xf32, #tpu.memory_space<hbm>>
      %dma_wait3A_328 = arith.constant 0 : i32
      %dma_wait3A_329 = arith.constant 0 : i32
      %dma_wait3A_330 = tpu.memref_slice %arg9[%dma_wait3A_328, %dma_wait3A_329] : memref<128x128xf32, #tpu.memory_space<vmem>> -> memref<128x128xf32, #tpu.memory_space<vmem>>
      tpu.wait_dma2 semaphore(%arg19 : memref<!tpu.dma_semaphore, #tpu.memory_space<semaphore_mem>>) src(%dma_wait3A_330 : memref<128x128xf32, #tpu.memory_space<vmem>>) dst(%dma_wait3A_327 : memref<128x128xf32, #tpu.memory_space<hbm>>)
      %dma_start3A_331 = arith.constant 0 : i32
      %dma_start3A_332 = arith.constant 0 : i32
      %dma_start3A_333 = tpu.memref_slice %arg9[%dma_start3A_331, %dma_start3A_332] : memref<128x128xf32, #tpu.memory_space<vmem>> -> memref<128x128xf32, #tpu.memory_space<vmem>>
      %dma_start3A_334 = arith.constant 0 : i32
      %dma_start3A_335 = tpu.memref_slice %arg6[%dma_start3A_334] : memref<128xi32, #tpu.memory_space<vmem>> -> memref<128xi32, #tpu.memory_space<vmem>>
      %dma_start3A_336 = arith.constant 0 : i32
      %dma_start3A_337 = arith.constant 0 : i32
      %dma_start3A_338 = tpu.memref_slice %arg11[%dma_start3A_336, %dma_start3A_337] : memref<10000x128xf32, #tpu.memory_space<vmem_shared>> -> memref<10000x128xf32, #tpu.memory_space<vmem_shared>>
      tpu.enqueue_indirect_dma source(%dma_start3A_338 : memref<10000x128xf32, #tpu.memory_space<vmem_shared>>) target(%dma_start3A_333 : memref<128x128xf32, #tpu.memory_space<vmem>>) offsets(%dma_start3A_335 : memref<128xi32, #tpu.memory_space<vmem>>) semaphore(%arg16 : memref<!tpu.dma_semaphore, #tpu.memory_space<semaphore_mem>>)
      %dma_wait3A_339 = arith.constant 0 : i32
      %dma_wait3A_340 = arith.constant 0 : i32
      %dma_wait3A_341 = tpu.memref_slice %arg8[%dma_wait3A_339, %dma_wait3A_340] : memref<128x128xf32, #tpu.memory_space<vmem>> -> memref<128x128xf32, #tpu.memory_space<vmem>>
      %dma_wait3A_342 = arith.constant 0 : i32
      %dma_wait3A_343 = tpu.memref_slice %arg5[%dma_wait3A_342] : memref<128xi32, #tpu.memory_space<vmem>> -> memref<128xi32, #tpu.memory_space<vmem>>
      %dma_wait3A_344 = arith.constant 0 : i32
      %dma_wait3A_345 = arith.constant 0 : i32
      %dma_wait3A_346 = tpu.memref_slice %arg11[%dma_wait3A_344, %dma_wait3A_345] : memref<10000x128xf32, #tpu.memory_space<vmem_shared>> -> memref<10000x128xf32, #tpu.memory_space<vmem_shared>>
      tpu.wait_indirect_dma semaphore(%arg15 : memref<!tpu.dma_semaphore, #tpu.memory_space<semaphore_mem>>) src(%dma_wait3A_346 : memref<10000x128xf32, #tpu.memory_space<vmem_shared>>) dst(%dma_wait3A_341 : memref<128x128xf32, #tpu.memory_space<vmem>>)
      %sub3A_347 = arith.constant 1 : i32
      %sub3A_348 = arith.subi %add3A_314, %sub3A_347 : i32
      %mul3A_349 = arith.constant 128 : i32
      %mul3A_350 = arith.muli %sub3A_348, %mul3A_349 : i32
      %add3A_351 = arith.addi %mul3A_2, %mul3A_350 : i32
      %dma_start3A_352 = arith.constant 0 : i32
      %dma_start3A_353 = arith.constant 0 : i32
      %dma_start3A_354 = tpu.memref_slice %arg8[%dma_start3A_352, %dma_start3A_353] : memref<128x128xf32, #tpu.memory_space<vmem>> -> memref<128x128xf32, #tpu.memory_space<vmem>>
      %dma_start3A_355 = arith.constant 0 : i32
      %dma_start3A_356 = tpu.memref_slice %arg4[%add3A_351, %dma_start3A_355] : memref<320000x128xf32, #tpu.memory_space<hbm>> -> memref<128x128xf32, #tpu.memory_space<hbm>>
      %dma_start3A_357 = arith.constant 0 : i32
      %dma_start3A_358 = tpu.memref_slice %arg4[%add3A_351, %dma_start3A_357] : memref<320000x128xf32, #tpu.memory_space<hbm>> -> memref<128x128xf32, #tpu.memory_space<hbm>>
      %dma_start3A_359 = arith.constant 0 : i32
      %dma_start3A_360 = arith.constant 0 : i32
      %dma_start3A_361 = tpu.memref_slice %arg8[%dma_start3A_359, %dma_start3A_360] : memref<128x128xf32, #tpu.memory_space<vmem>> -> memref<128x128xf32, #tpu.memory_space<vmem>>
      tpu.enqueue_dma source(%dma_start3A_361 : memref<128x128xf32, #tpu.memory_space<vmem>>) target(%dma_start3A_358 : memref<128x128xf32, #tpu.memory_space<hbm>>) target_semaphore(%arg18 : memref<!tpu.dma_semaphore, #tpu.memory_space<semaphore_mem>>)
      %add3A_362 = arith.constant 2 : i32
      %add3A_363 = arith.addi %add3A_314, %add3A_362 : i32
      %min3A_364 = arith.constant 77 : i32
      %min3A_365 = arith.minsi %add3A_363, %min3A_364 : i32
      %mul3A_366 = arith.constant 128 : i32
      %mul3A_367 = arith.muli %min3A_365, %mul3A_366 : i32
      %add3A_368 = arith.addi %mul3A_2, %mul3A_367 : i32
      %dma_start3A_369 = arith.constant 0 : i32
      %dma_start3A_370 = tpu.memref_slice %arg5[%dma_start3A_369] : memref<128xi32, #tpu.memory_space<vmem>> -> memref<128xi32, #tpu.memory_space<vmem>>
      %dma_start3A_371 = tpu.memref_slice %arg3[%add3A_368] : memref<320000xi32, #tpu.memory_space<hbm>> -> memref<128xi32, #tpu.memory_space<hbm>>
      %dma_start3A_372 = arith.constant 0 : i32
      %dma_start3A_373 = tpu.memref_slice %arg5[%dma_start3A_372] : memref<128xi32, #tpu.memory_space<vmem>> -> memref<128xi32, #tpu.memory_space<vmem>>
      %dma_start3A_374 = tpu.memref_slice %arg3[%add3A_368] : memref<320000xi32, #tpu.memory_space<hbm>> -> memref<128xi32, #tpu.memory_space<hbm>>
      tpu.enqueue_dma source(%dma_start3A_374 : memref<128xi32, #tpu.memory_space<hbm>>) target(%dma_start3A_373 : memref<128xi32, #tpu.memory_space<vmem>>) target_semaphore(%arg12 : memref<!tpu.dma_semaphore, #tpu.memory_space<semaphore_mem>>)
      %add3A_375 = arith.constant 2 : i32
      %add3A_376 = arith.addi %add3A_252, %add3A_375 : i32
      %dma_wait3A_377 = arith.constant 0 : i32
      %dma_wait3A_378 = tpu.memref_slice %arg7[%dma_wait3A_377] : memref<128xi32, #tpu.memory_space<vmem>> -> memref<128xi32, #tpu.memory_space<vmem>>
      %dma_wait3A_379 = tpu.memref_slice %arg3[%mul3A_2] : memref<320000xi32, #tpu.memory_space<hbm>> -> memref<128xi32, #tpu.memory_space<hbm>>
      %dma_wait3A_380 = arith.constant 0 : i32
      %dma_wait3A_381 = tpu.memref_slice %arg7[%dma_wait3A_380] : memref<128xi32, #tpu.memory_space<vmem>> -> memref<128xi32, #tpu.memory_space<vmem>>
      %dma_wait3A_382 = tpu.memref_slice %arg3[%mul3A_2] : memref<320000xi32, #tpu.memory_space<hbm>> -> memref<128xi32, #tpu.memory_space<hbm>>
      tpu.wait_dma2 semaphore(%arg14 : memref<!tpu.dma_semaphore, #tpu.memory_space<semaphore_mem>>) src(%dma_wait3A_382 : memref<128xi32, #tpu.memory_space<hbm>>) dst(%dma_wait3A_381 : memref<128xi32, #tpu.memory_space<vmem>>)
      %dma_wait3A_383 = arith.constant 0 : i32
      %dma_wait3A_384 = arith.constant 0 : i32
      %dma_wait3A_385 = tpu.memref_slice %arg10[%dma_wait3A_383, %dma_wait3A_384] : memref<128x128xf32, #tpu.memory_space<vmem>> -> memref<128x128xf32, #tpu.memory_space<vmem>>
      %dma_wait3A_386 = arith.constant 0 : i32
      %dma_wait3A_387 = tpu.memref_slice %arg4[%mul3A_2, %dma_wait3A_386] : memref<320000x128xf32, #tpu.memory_space<hbm>> -> memref<128x128xf32, #tpu.memory_space<hbm>>
      %dma_wait3A_388 = arith.constant 0 : i32
      %dma_wait3A_389 = tpu.memref_slice %arg4[%mul3A_2, %dma_wait3A_388] : memref<320000x128xf32, #tpu.memory_space<hbm>> -> memref<128x128xf32, #tpu.memory_space<hbm>>
      %dma_wait3A_390 = arith.constant 0 : i32
      %dma_wait3A_391 = arith.constant 0 : i32
      %dma_wait3A_392 = tpu.memref_slice %arg10[%dma_wait3A_390, %dma_wait3A_391] : memref<128x128xf32, #tpu.memory_space<vmem>> -> memref<128x128xf32, #tpu.memory_space<vmem>>
      tpu.wait_dma2 semaphore(%arg20 : memref<!tpu.dma_semaphore, #tpu.memory_space<semaphore_mem>>) src(%dma_wait3A_392 : memref<128x128xf32, #tpu.memory_space<vmem>>) dst(%dma_wait3A_389 : memref<128x128xf32, #tpu.memory_space<hbm>>)
      %dma_start3A_393 = arith.constant 0 : i32
      %dma_start3A_394 = arith.constant 0 : i32
      %dma_start3A_395 = tpu.memref_slice %arg10[%dma_start3A_393, %dma_start3A_394] : memref<128x128xf32, #tpu.memory_space<vmem>> -> memref<128x128xf32, #tpu.memory_space<vmem>>
      %dma_start3A_396 = arith.constant 0 : i32
      %dma_start3A_397 = tpu.memref_slice %arg7[%dma_start3A_396] : memref<128xi32, #tpu.memory_space<vmem>> -> memref<128xi32, #tpu.memory_space<vmem>>
      %dma_start3A_398 = arith.constant 0 : i32
      %dma_start3A_399 = arith.constant 0 : i32
      %dma_start3A_400 = tpu.memref_slice %arg11[%dma_start3A_398, %dma_start3A_399] : memref<10000x128xf32, #tpu.memory_space<vmem_shared>> -> memref<10000x128xf32, #tpu.memory_space<vmem_shared>>
      tpu.enqueue_indirect_dma source(%dma_start3A_400 : memref<10000x128xf32, #tpu.memory_space<vmem_shared>>) target(%dma_start3A_395 : memref<128x128xf32, #tpu.memory_space<vmem>>) offsets(%dma_start3A_397 : memref<128xi32, #tpu.memory_space<vmem>>) semaphore(%arg17 : memref<!tpu.dma_semaphore, #tpu.memory_space<semaphore_mem>>)
      %dma_wait3A_401 = arith.constant 0 : i32
      %dma_wait3A_402 = arith.constant 0 : i32
      %dma_wait3A_403 = tpu.memref_slice %arg9[%dma_wait3A_401, %dma_wait3A_402] : memref<128x128xf32, #tpu.memory_space<vmem>> -> memref<128x128xf32, #tpu.memory_space<vmem>>
      %dma_wait3A_404 = arith.constant 0 : i32
      %dma_wait3A_405 = tpu.memref_slice %arg6[%dma_wait3A_404] : memref<128xi32, #tpu.memory_space<vmem>> -> memref<128xi32, #tpu.memory_space<vmem>>
      %dma_wait3A_406 = arith.constant 0 : i32
      %dma_wait3A_407 = arith.constant 0 : i32
      %dma_wait3A_408 = tpu.memref_slice %arg11[%dma_wait3A_406, %dma_wait3A_407] : memref<10000x128xf32, #tpu.memory_space<vmem_shared>> -> memref<10000x128xf32, #tpu.memory_space<vmem_shared>>
      tpu.wait_indirect_dma semaphore(%arg16 : memref<!tpu.dma_semaphore, #tpu.memory_space<semaphore_mem>>) src(%dma_wait3A_408 : memref<10000x128xf32, #tpu.memory_space<vmem_shared>>) dst(%dma_wait3A_403 : memref<128x128xf32, #tpu.memory_space<vmem>>)
      %sub3A_409 = arith.constant 1 : i32
      %sub3A_410 = arith.subi %add3A_376, %sub3A_409 : i32
      %mul3A_411 = arith.constant 128 : i32
      %mul3A_412 = arith.muli %sub3A_410, %mul3A_411 : i32
      %add3A_413 = arith.addi %mul3A_2, %mul3A_412 : i32
      %dma_start3A_414 = arith.constant 0 : i32
      %dma_start3A_415 = arith.constant 0 : i32
      %dma_start3A_416 = tpu.memref_slice %arg9[%dma_start3A_414, %dma_start3A_415] : memref<128x128xf32, #tpu.memory_space<vmem>> -> memref<128x128xf32, #tpu.memory_space<vmem>>
      %dma_start3A_417 = arith.constant 0 : i32
      %dma_start3A_418 = tpu.memref_slice %arg4[%add3A_413, %dma_start3A_417] : memref<320000x128xf32, #tpu.memory_space<hbm>> -> memref<128x128xf32, #tpu.memory_space<hbm>>
      %dma_start3A_419 = arith.constant 0 : i32
      %dma_start3A_420 = tpu.memref_slice %arg4[%add3A_413, %dma_start3A_419] : memref<320000x128xf32, #tpu.memory_space<hbm>> -> memref<128x128xf32, #tpu.memory_space<hbm>>
      %dma_start3A_421 = arith.constant 0 : i32
      %dma_start3A_422 = arith.constant 0 : i32
      %dma_start3A_423 = tpu.memref_slice %arg9[%dma_start3A_421, %dma_start3A_422] : memref<128x128xf32, #tpu.memory_space<vmem>> -> memref<128x128xf32, #tpu.memory_space<vmem>>
      tpu.enqueue_dma source(%dma_start3A_423 : memref<128x128xf32, #tpu.memory_space<vmem>>) target(%dma_start3A_420 : memref<128x128xf32, #tpu.memory_space<hbm>>) target_semaphore(%arg19 : memref<!tpu.dma_semaphore, #tpu.memory_space<semaphore_mem>>)
      %add3A_424 = arith.constant 2 : i32
      %add3A_425 = arith.addi %add3A_376, %add3A_424 : i32
      %min3A_426 = arith.constant 77 : i32
      %min3A_427 = arith.minsi %add3A_425, %min3A_426 : i32
      %mul3A_428 = arith.constant 128 : i32
      %mul3A_429 = arith.muli %min3A_427, %mul3A_428 : i32
      %add3A_430 = arith.addi %mul3A_2, %mul3A_429 : i32
      %dma_start3A_431 = arith.constant 0 : i32
      %dma_start3A_432 = tpu.memref_slice %arg6[%dma_start3A_431] : memref<128xi32, #tpu.memory_space<vmem>> -> memref<128xi32, #tpu.memory_space<vmem>>
      %dma_start3A_433 = tpu.memref_slice %arg3[%add3A_430] : memref<320000xi32, #tpu.memory_space<hbm>> -> memref<128xi32, #tpu.memory_space<hbm>>
      %dma_start3A_434 = arith.constant 0 : i32
      %dma_start3A_435 = tpu.memref_slice %arg6[%dma_start3A_434] : memref<128xi32, #tpu.memory_space<vmem>> -> memref<128xi32, #tpu.memory_space<vmem>>
      %dma_start3A_436 = tpu.memref_slice %arg3[%add3A_430] : memref<320000xi32, #tpu.memory_space<hbm>> -> memref<128xi32, #tpu.memory_space<hbm>>
      tpu.enqueue_dma source(%dma_start3A_436 : memref<128xi32, #tpu.memory_space<hbm>>) target(%dma_start3A_435 : memref<128xi32, #tpu.memory_space<vmem>>) target_semaphore(%arg13 : memref<!tpu.dma_semaphore, #tpu.memory_space<semaphore_mem>>)
    }
    %scan3A_133 = arith.constant 25 : i32
    %dma_wait3A_134 = arith.constant 0 : i32
    %dma_wait3A_135 = arith.constant 0 : i32
    %dma_wait3A_136 = tpu.memref_slice %arg10[%dma_wait3A_134, %dma_wait3A_135] : memref<128x128xf32, #tpu.memory_space<vmem>> -> memref<128x128xf32, #tpu.memory_space<vmem>>
    %dma_wait3A_137 = arith.constant 0 : i32
    %dma_wait3A_138 = tpu.memref_slice %arg7[%dma_wait3A_137] : memref<128xi32, #tpu.memory_space<vmem>> -> memref<128xi32, #tpu.memory_space<vmem>>
    %dma_wait3A_139 = arith.constant 0 : i32
    %dma_wait3A_140 = arith.constant 0 : i32
    %dma_wait3A_141 = tpu.memref_slice %arg11[%dma_wait3A_139, %dma_wait3A_140] : memref<10000x128xf32, #tpu.memory_space<vmem_shared>> -> memref<10000x128xf32, #tpu.memory_space<vmem_shared>>
    tpu.wait_indirect_dma semaphore(%arg17 : memref<!tpu.dma_semaphore, #tpu.memory_space<semaphore_mem>>) src(%dma_wait3A_141 : memref<10000x128xf32, #tpu.memory_space<vmem_shared>>) dst(%dma_wait3A_136 : memref<128x128xf32, #tpu.memory_space<vmem>>)
    %add3A_142 = arith.constant 9856 : i32
    %add3A_143 = arith.addi %mul3A_2, %add3A_142 : i32
    %dma_start3A_144 = arith.constant 0 : i32
    %dma_start3A_145 = arith.constant 0 : i32
    %dma_start3A_146 = tpu.memref_slice %arg10[%dma_start3A_144, %dma_start3A_145] : memref<128x128xf32, #tpu.memory_space<vmem>> -> memref<128x128xf32, #tpu.memory_space<vmem>>
    %dma_start3A_147 = arith.constant 0 : i32
    %dma_start3A_148 = tpu.memref_slice %arg4[%add3A_143, %dma_start3A_147] : memref<320000x128xf32, #tpu.memory_space<hbm>> -> memref<128x128xf32, #tpu.memory_space<hbm>>
    %dma_start3A_149 = arith.constant 0 : i32
    %dma_start3A_150 = tpu.memref_slice %arg4[%add3A_143, %dma_start3A_149] : memref<320000x128xf32, #tpu.memory_space<hbm>> -> memref<128x128xf32, #tpu.memory_space<hbm>>
    %dma_start3A_151 = arith.constant 0 : i32
    %dma_start3A_152 = arith.constant 0 : i32
    %dma_start3A_153 = tpu.memref_slice %arg10[%dma_start3A_151, %dma_start3A_152] : memref<128x128xf32, #tpu.memory_space<vmem>> -> memref<128x128xf32, #tpu.memory_space<vmem>>
    tpu.enqueue_dma source(%dma_start3A_153 : memref<128x128xf32, #tpu.memory_space<vmem>>) target(%dma_start3A_150 : memref<128x128xf32, #tpu.memory_space<hbm>>) target_semaphore(%arg20 : memref<!tpu.dma_semaphore, #tpu.memory_space<semaphore_mem>>)
    %dma_wait3A_154 = arith.constant 0 : i32
    %dma_wait3A_155 = tpu.memref_slice %arg5[%dma_wait3A_154] : memref<128xi32, #tpu.memory_space<vmem>> -> memref<128xi32, #tpu.memory_space<vmem>>
    %dma_wait3A_156 = tpu.memref_slice %arg3[%mul3A_2] : memref<320000xi32, #tpu.memory_space<hbm>> -> memref<128xi32, #tpu.memory_space<hbm>>
    %dma_wait3A_157 = arith.constant 0 : i32
    %dma_wait3A_158 = tpu.memref_slice %arg5[%dma_wait3A_157] : memref<128xi32, #tpu.memory_space<vmem>> -> memref<128xi32, #tpu.memory_space<vmem>>
    %dma_wait3A_159 = tpu.memref_slice %arg3[%mul3A_2] : memref<320000xi32, #tpu.memory_space<hbm>> -> memref<128xi32, #tpu.memory_space<hbm>>
    tpu.wait_dma2 semaphore(%arg12 : memref<!tpu.dma_semaphore, #tpu.memory_space<semaphore_mem>>) src(%dma_wait3A_159 : memref<128xi32, #tpu.memory_space<hbm>>) dst(%dma_wait3A_158 : memref<128xi32, #tpu.memory_space<vmem>>)
    %add3A_160 = arith.constant 9984 : i32
    %add3A_161 = arith.addi %mul3A_2, %add3A_160 : i32
    %dma_start3A_162 = arith.constant 0 : i32
    %dma_start3A_163 = tpu.memref_slice %arg5[%dma_start3A_162] : memref<128xi32, #tpu.memory_space<vmem>> -> memref<16xi32, #tpu.memory_space<vmem>>
    %dma_start3A_164 = tpu.memref_slice %arg3[%add3A_161] : memref<320000xi32, #tpu.memory_space<hbm>> -> memref<16xi32, #tpu.memory_space<hbm>>
    %dma_start3A_165 = arith.constant 0 : i32
    %dma_start3A_166 = tpu.memref_slice %arg5[%dma_start3A_165] : memref<128xi32, #tpu.memory_space<vmem>> -> memref<16xi32, #tpu.memory_space<vmem>>
    %dma_start3A_167 = tpu.memref_slice %arg3[%add3A_161] : memref<320000xi32, #tpu.memory_space<hbm>> -> memref<16xi32, #tpu.memory_space<hbm>>
    tpu.enqueue_dma source(%dma_start3A_167 : memref<16xi32, #tpu.memory_space<hbm>>) target(%dma_start3A_166 : memref<16xi32, #tpu.memory_space<vmem>>) target_semaphore(%arg12 : memref<!tpu.dma_semaphore, #tpu.memory_space<semaphore_mem>>)
    %dma_wait3A_168 = arith.constant 0 : i32
    %dma_wait3A_169 = tpu.memref_slice %arg5[%dma_wait3A_168] : memref<128xi32, #tpu.memory_space<vmem>> -> memref<16xi32, #tpu.memory_space<vmem>>
    %dma_wait3A_170 = tpu.memref_slice %arg3[%mul3A_2] : memref<320000xi32, #tpu.memory_space<hbm>> -> memref<16xi32, #tpu.memory_space<hbm>>
    %dma_wait3A_171 = arith.constant 0 : i32
    %dma_wait3A_172 = tpu.memref_slice %arg5[%dma_wait3A_171] : memref<128xi32, #tpu.memory_space<vmem>> -> memref<16xi32, #tpu.memory_space<vmem>>
    %dma_wait3A_173 = tpu.memref_slice %arg3[%mul3A_2] : memref<320000xi32, #tpu.memory_space<hbm>> -> memref<16xi32, #tpu.memory_space<hbm>>
    tpu.wait_dma2 semaphore(%arg12 : memref<!tpu.dma_semaphore, #tpu.memory_space<semaphore_mem>>) src(%dma_wait3A_173 : memref<16xi32, #tpu.memory_space<hbm>>) dst(%dma_wait3A_172 : memref<16xi32, #tpu.memory_space<vmem>>)
    %dma_wait3A_174 = arith.constant 0 : i32
    %dma_wait3A_175 = arith.constant 0 : i32
    %dma_wait3A_176 = tpu.memref_slice %arg8[%dma_wait3A_174, %dma_wait3A_175] : memref<128x128xf32, #tpu.memory_space<vmem>> -> memref<128x128xf32, #tpu.memory_space<vmem>>
    %dma_wait3A_177 = arith.constant 0 : i32
    %dma_wait3A_178 = tpu.memref_slice %arg4[%mul3A_2, %dma_wait3A_177] : memref<320000x128xf32, #tpu.memory_space<hbm>> -> memref<128x128xf32, #tpu.memory_space<hbm>>
    %dma_wait3A_179 = arith.constant 0 : i32
    %dma_wait3A_180 = tpu.memref_slice %arg4[%mul3A_2, %dma_wait3A_179] : memref<320000x128xf32, #tpu.memory_space<hbm>> -> memref<128x128xf32, #tpu.memory_space<hbm>>
    %dma_wait3A_181 = arith.constant 0 : i32
    %dma_wait3A_182 = arith.constant 0 : i32
    %dma_wait3A_183 = tpu.memref_slice %arg8[%dma_wait3A_181, %dma_wait3A_182] : memref<128x128xf32, #tpu.memory_space<vmem>> -> memref<128x128xf32, #tpu.memory_space<vmem>>
    tpu.wait_dma2 semaphore(%arg18 : memref<!tpu.dma_semaphore, #tpu.memory_space<semaphore_mem>>) src(%dma_wait3A_183 : memref<128x128xf32, #tpu.memory_space<vmem>>) dst(%dma_wait3A_180 : memref<128x128xf32, #tpu.memory_space<hbm>>)
    %dma_start3A_184 = arith.constant 0 : i32
    %dma_start3A_185 = arith.constant 0 : i32
    %dma_start3A_186 = tpu.memref_slice %arg8[%dma_start3A_184, %dma_start3A_185] : memref<128x128xf32, #tpu.memory_space<vmem>> -> memref<16x128xf32, #tpu.memory_space<vmem>>
    %dma_start3A_187 = arith.constant 0 : i32
    %dma_start3A_188 = tpu.memref_slice %arg5[%dma_start3A_187] : memref<128xi32, #tpu.memory_space<vmem>> -> memref<16xi32, #tpu.memory_space<vmem>>
    %dma_start3A_189 = arith.constant 0 : i32
    %dma_start3A_190 = arith.constant 0 : i32
    %dma_start3A_191 = tpu.memref_slice %arg11[%dma_start3A_189, %dma_start3A_190] : memref<10000x128xf32, #tpu.memory_space<vmem_shared>> -> memref<10000x128xf32, #tpu.memory_space<vmem_shared>>
    tpu.enqueue_indirect_dma source(%dma_start3A_191 : memref<10000x128xf32, #tpu.memory_space<vmem_shared>>) target(%dma_start3A_186 : memref<16x128xf32, #tpu.memory_space<vmem>>) offsets(%dma_start3A_188 : memref<16xi32, #tpu.memory_space<vmem>>) semaphore(%arg15 : memref<!tpu.dma_semaphore, #tpu.memory_space<semaphore_mem>>)
    %dma_wait3A_192 = arith.constant 0 : i32
    %dma_wait3A_193 = arith.constant 0 : i32
    %dma_wait3A_194 = tpu.memref_slice %arg8[%dma_wait3A_192, %dma_wait3A_193] : memref<128x128xf32, #tpu.memory_space<vmem>> -> memref<16x128xf32, #tpu.memory_space<vmem>>
    %dma_wait3A_195 = arith.constant 0 : i32
    %dma_wait3A_196 = tpu.memref_slice %arg5[%dma_wait3A_195] : memref<128xi32, #tpu.memory_space<vmem>> -> memref<16xi32, #tpu.memory_space<vmem>>
    %dma_wait3A_197 = arith.constant 0 : i32
    %dma_wait3A_198 = arith.constant 0 : i32
    %dma_wait3A_199 = tpu.memref_slice %arg11[%dma_wait3A_197, %dma_wait3A_198] : memref<10000x128xf32, #tpu.memory_space<vmem_shared>> -> memref<10000x128xf32, #tpu.memory_space<vmem_shared>>
    tpu.wait_indirect_dma semaphore(%arg15 : memref<!tpu.dma_semaphore, #tpu.memory_space<semaphore_mem>>) src(%dma_wait3A_199 : memref<10000x128xf32, #tpu.memory_space<vmem_shared>>) dst(%dma_wait3A_194 : memref<16x128xf32, #tpu.memory_space<vmem>>)
    %add3A_200 = arith.constant 9984 : i32
    %add3A_201 = arith.addi %mul3A_2, %add3A_200 : i32
    %dma_start3A_202 = arith.constant 0 : i32
    %dma_start3A_203 = arith.constant 0 : i32
    %dma_start3A_204 = tpu.memref_slice %arg8[%dma_start3A_202, %dma_start3A_203] : memref<128x128xf32, #tpu.memory_space<vmem>> -> memref<16x128xf32, #tpu.memory_space<vmem>>
    %dma_start3A_205 = arith.constant 0 : i32
    %dma_start3A_206 = tpu.memref_slice %arg4[%add3A_201, %dma_start3A_205] : memref<320000x128xf32, #tpu.memory_space<hbm>> -> memref<16x128xf32, #tpu.memory_space<hbm>>
    %dma_start3A_207 = arith.constant 0 : i32
    %dma_start3A_208 = tpu.memref_slice %arg4[%add3A_201, %dma_start3A_207] : memref<320000x128xf32, #tpu.memory_space<hbm>> -> memref<16x128xf32, #tpu.memory_space<hbm>>
    %dma_start3A_209 = arith.constant 0 : i32
    %dma_start3A_210 = arith.constant 0 : i32
    %dma_start3A_211 = tpu.memref_slice %arg8[%dma_start3A_209, %dma_start3A_210] : memref<128x128xf32, #tpu.memory_space<vmem>> -> memref<16x128xf32, #tpu.memory_space<vmem>>
    tpu.enqueue_dma source(%dma_start3A_211 : memref<16x128xf32, #tpu.memory_space<vmem>>) target(%dma_start3A_208 : memref<16x128xf32, #tpu.memory_space<hbm>>) target_semaphore(%arg18 : memref<!tpu.dma_semaphore, #tpu.memory_space<semaphore_mem>>)
    %dma_wait3A_212 = arith.constant 0 : i32
    %dma_wait3A_213 = tpu.memref_slice %arg6[%dma_wait3A_212] : memref<128xi32, #tpu.memory_space<vmem>> -> memref<128xi32, #tpu.memory_space<vmem>>
    %dma_wait3A_214 = tpu.memref_slice %arg3[%mul3A_2] : memref<320000xi32, #tpu.memory_space<hbm>> -> memref<128xi32, #tpu.memory_space<hbm>>
    %dma_wait3A_215 = arith.constant 0 : i32
    %dma_wait3A_216 = tpu.memref_slice %arg6[%dma_wait3A_215] : memref<128xi32, #tpu.memory_space<vmem>> -> memref<128xi32, #tpu.memory_space<vmem>>
    %dma_wait3A_217 = tpu.memref_slice %arg3[%mul3A_2] : memref<320000xi32, #tpu.memory_space<hbm>> -> memref<128xi32, #tpu.memory_space<hbm>>
    tpu.wait_dma2 semaphore(%arg13 : memref<!tpu.dma_semaphore, #tpu.memory_space<semaphore_mem>>) src(%dma_wait3A_217 : memref<128xi32, #tpu.memory_space<hbm>>) dst(%dma_wait3A_216 : memref<128xi32, #tpu.memory_space<vmem>>)
    %dma_wait3A_218 = arith.constant 0 : i32
    %dma_wait3A_219 = arith.constant 0 : i32
    %dma_wait3A_220 = tpu.memref_slice %arg9[%dma_wait3A_218, %dma_wait3A_219] : memref<128x128xf32, #tpu.memory_space<vmem>> -> memref<128x128xf32, #tpu.memory_space<vmem>>
    %dma_wait3A_221 = arith.constant 0 : i32
    %dma_wait3A_222 = tpu.memref_slice %arg4[%mul3A_2, %dma_wait3A_221] : memref<320000x128xf32, #tpu.memory_space<hbm>> -> memref<128x128xf32, #tpu.memory_space<hbm>>
    %dma_wait3A_223 = arith.constant 0 : i32
    %dma_wait3A_224 = tpu.memref_slice %arg4[%mul3A_2, %dma_wait3A_223] : memref<320000x128xf32, #tpu.memory_space<hbm>> -> memref<128x128xf32, #tpu.memory_space<hbm>>
    %dma_wait3A_225 = arith.constant 0 : i32
    %dma_wait3A_226 = arith.constant 0 : i32
    %dma_wait3A_227 = tpu.memref_slice %arg9[%dma_wait3A_225, %dma_wait3A_226] : memref<128x128xf32, #tpu.memory_space<vmem>> -> memref<128x128xf32, #tpu.memory_space<vmem>>
    tpu.wait_dma2 semaphore(%arg19 : memref<!tpu.dma_semaphore, #tpu.memory_space<semaphore_mem>>) src(%dma_wait3A_227 : memref<128x128xf32, #tpu.memory_space<vmem>>) dst(%dma_wait3A_224 : memref<128x128xf32, #tpu.memory_space<hbm>>)
    %dma_wait3A_228 = arith.constant 0 : i32
    %dma_wait3A_229 = arith.constant 0 : i32
    %dma_wait3A_230 = tpu.memref_slice %arg10[%dma_wait3A_228, %dma_wait3A_229] : memref<128x128xf32, #tpu.memory_space<vmem>> -> memref<128x128xf32, #tpu.memory_space<vmem>>
    %dma_wait3A_231 = arith.constant 0 : i32
    %dma_wait3A_232 = tpu.memref_slice %arg4[%mul3A_2, %dma_wait3A_231] : memref<320000x128xf32, #tpu.memory_space<hbm>> -> memref<128x128xf32, #tpu.memory_space<hbm>>
    %dma_wait3A_233 = arith.constant 0 : i32
    %dma_wait3A_234 = tpu.memref_slice %arg4[%mul3A_2, %dma_wait3A_233] : memref<320000x128xf32, #tpu.memory_space<hbm>> -> memref<128x128xf32, #tpu.memory_space<hbm>>
    %dma_wait3A_235 = arith.constant 0 : i32
    %dma_wait3A_236 = arith.constant 0 : i32
    %dma_wait3A_237 = tpu.memref_slice %arg10[%dma_wait3A_235, %dma_wait3A_236] : memref<128x128xf32, #tpu.memory_space<vmem>> -> memref<128x128xf32, #tpu.memory_space<vmem>>
    tpu.wait_dma2 semaphore(%arg20 : memref<!tpu.dma_semaphore, #tpu.memory_space<semaphore_mem>>) src(%dma_wait3A_237 : memref<128x128xf32, #tpu.memory_space<vmem>>) dst(%dma_wait3A_234 : memref<128x128xf32, #tpu.memory_space<hbm>>)
    %dma_wait3A_238 = arith.constant 0 : i32
    %dma_wait3A_239 = arith.constant 0 : i32
    %dma_wait3A_240 = tpu.memref_slice %arg8[%dma_wait3A_238, %dma_wait3A_239] : memref<128x128xf32, #tpu.memory_space<vmem>> -> memref<16x128xf32, #tpu.memory_space<vmem>>
    %dma_wait3A_241 = arith.constant 0 : i32
    %dma_wait3A_242 = tpu.memref_slice %arg4[%mul3A_2, %dma_wait3A_241] : memref<320000x128xf32, #tpu.memory_space<hbm>> -> memref<16x128xf32, #tpu.memory_space<hbm>>
    %dma_wait3A_243 = arith.constant 0 : i32
    %dma_wait3A_244 = tpu.memref_slice %arg4[%mul3A_2, %dma_wait3A_243] : memref<320000x128xf32, #tpu.memory_space<hbm>> -> memref<16x128xf32, #tpu.memory_space<hbm>>
    %dma_wait3A_245 = arith.constant 0 : i32
    %dma_wait3A_246 = arith.constant 0 : i32
    %dma_wait3A_247 = tpu.memref_slice %arg8[%dma_wait3A_245, %dma_wait3A_246] : memref<128x128xf32, #tpu.memory_space<vmem>> -> memref<16x128xf32, #tpu.memory_space<vmem>>
    tpu.wait_dma2 semaphore(%arg18 : memref<!tpu.dma_semaphore, #tpu.memory_space<semaphore_mem>>) src(%dma_wait3A_247 : memref<16x128xf32, #tpu.memory_space<vmem>>) dst(%dma_wait3A_244 : memref<16x128xf32, #tpu.memory_space<hbm>>)
    return
  }
}

module attributes {stable_mosaic.version = 14 : i64} {
  func.func @_mm_body(%arg0: i32, %arg1: memref<5000x128xf32, #tpu.memory_space<vmem>>, %arg2: memref<128x128xf32, #tpu.memory_space<vmem>>, %arg3: memref<5000x128xf32, #tpu.memory_space<vmem>>) attributes {dimension_semantics = [#tpu.dimension_semantics<arbitrary>], iteration_bounds = array<i64: 2>, scalar_prefetch = 0 : i64, scratch_operands = 0 : i64, tpu.core_type = #tpu.core_type<tc>, window_params = [{transform_indices = @transform_0, window_bounds = array<i64: 5000, 128>}, {pipeline_mode = #tpu.pipeline_mode<synchronous>, transform_indices = @transform_1, window_bounds = array<i64: 128, 128>}, {transform_indices = @transform_2, window_bounds = array<i64: 5000, 128>}]} {
    %get3A = arith.constant 0 : index
    %get3A_0 = arith.constant 0 : index
    %get3A_1 = vector.load %arg1[%get3A, %get3A_0] : memref<5000x128xf32, #tpu.memory_space<vmem>>, vector<5000x128xf32>
    %get3A_2 = arith.constant 0 : index
    %get3A_3 = arith.constant 0 : index
    %get3A_4 = vector.load %arg2[%get3A_2, %get3A_3] : memref<128x128xf32, #tpu.memory_space<vmem>>, vector<128x128xf32>
    %dot_general3A = arith.constant dense<0.000000e+00> : vector<5000x128xf32>
    %dot_general3A_5 = tpu.matmul %get3A_1, %get3A_4, %dot_general3A {dimension_numbers = #tpu.dot_dimension_numbers<[1], [1], [0], [0], [0, 0, 1, 0], [], []>, transpose_lhs_hint = false} : vector<5000x128xf32>, vector<128x128xf32>, vector<5000x128xf32> -> vector<5000x128xf32>
    %swap3A = arith.constant 0 : index
    %swap3A_6 = arith.constant 0 : index
    %swap3A_7 = vector.load %arg3[%swap3A, %swap3A_6] : memref<5000x128xf32, #tpu.memory_space<vmem>>, vector<5000x128xf32>
    tpu.vector_store %arg3[%swap3A, %swap3A_6], %dot_general3A_5 {strides = array<i32>} : memref<5000x128xf32, #tpu.memory_space<vmem>>, vector<5000x128xf32>,
    return
  }
  func.func @transform_0(%arg0: i32) -> (i32, i32) {
    %c0_i32 = arith.constant 0 : i32
    %c0_i32_0 = arith.constant 0 : i32
    return %arg0, %c0_i32 : i32, i32
  }
  func.func @transform_1(%arg0: i32) -> (i32, i32) {
    %c0_i32 = arith.constant 0 : i32
    %c0_i32_0 = arith.constant 0 : i32
    %c0_i32_1 = arith.constant 0 : i32
    return %c0_i32, %c0_i32_0 : i32, i32
  }
  func.func @transform_2(%arg0: i32) -> (i32, i32) {
    %c0_i32 = arith.constant 0 : i32
    %c0_i32_0 = arith.constant 0 : i32
    return %arg0, %c0_i32 : i32, i32
  }
}

</mosaic_0001>

<sc_bundles>
// kernel: kernel.4.cloned.1.call-start
scs
__scs_entry_jumppad:
0x0: {  	(pc) =	sbr.rel $0x88, $3  }
0x1: {  	(tag) =	ssettag $0x0;
	lr =	simm.s32 $0x1  }
0x2: {  	[smem:$0x3F9E] =	sst lr;
	_ =	strace $0xD0000000  }
0x3: {  	_ = 	snop  }
0x4: {  	_ = 	snop  }
0x5: {  	_ = 	snop  }
0x6: {  	_ = 	snop  }
0x7: {  	_ = 	snop  }
__scs_overlays_trampoline_lowered:
0x8: {  	[smem:$0x3FAD] =	sst s0  }
0x9: {  	[smem:$0x3FAE] =	sst s1  }
0xa: {  	[smem:$0x3FAF] =	sst s2  }
0xb: {  	[smem:$0x3FB0] =	sst s3  }
0xc: {  	[smem:$0x3FB1] =	sst s4  }
0xd: {  	[smem:$0x3FB2] =	sst s5  }
0xe: {  	[smem:$0x3FB3] =	sst s6  }
0xf: {  	[smem:$0x3FB4] =	sst s7  }
0x10: {  	[smem:$0x3FB5] =	sst s8  }
0x11: {  	[smem:$0x3FB6] =	sst s9;
	s0 =	simm.s32 @!p0 $0x0  }
0x12: {  	s1 =	sld [smem:$0x3F9C];
	s0 =	simm.s32 @p0 $0x1  }
0x13: {  	[smem:$0x3FB7] =	sst s0;
	s0 =	simm.s32 @!p1 $0x0  }
0x14: {  	s2 =	sld [smem:$0x3F9B];
	s0 =	simm.s32 @p1 $0x1  }
0x15: {  	[smem:$0x3FB8] =	sst s0;
	s0 =	simm.s32 @!p2 $0x0  }
0x16: {  	s3 =	sld [smem:$0x3FDB];
	s0 =	simm.s32 @p2 $0x1  }
0x17: {  	s4 =	simm.s32 $0x1BF5;
	[smem:$0x3FBA] =	sst s0  }
0x18: {  	s0 =	sld [smem:$0x3F9D];
	_ =	swait.ge [sflag:s4], $0x0  }
0x19: {  	s7 =	sld [smem:$0x3F9E]  }
0x1a: {  	s8 =	sadd.s32 $0xFFFFE003, lr  }
0x1b: {  	s9 =	sadd.s32 $0xFFFFFEF7, lr;
	s5 =	simm.s32 $0xFFFFFFFF;
	p2 =	slt.u32 s8, $0xFFFFF086  }
0x1c: {  	p1 =	slt.u32 s9, $0xF7A;
	s5 =	simm.s32 @!p2 $0x0  }
0x1d: {  	s5 =	simm.s32 @p1 $0x1;
	p0 =	seq.s32 s7, s2  }
0x1e: {  	s7 =	smul.u32 @!p0 $0xF7A, s2;
	p2 =	seq.s32 @!p0 s5, $0x0  }
0x1f: {  	s9 =	smul.u32 $0xF7A, s1;
	s8 =	simm.s32 @!p0 $0x1BF5;
	p2 =	por !p2, p0  }
0x20: {  	[sflag:s8] =	ssyncset.s32 @!p0 $0xFFFFF086;
	s6 =	sadd.s32 @!p0 s3, s7;
	s7 =	simm.s32 @!p0 $0x108  }
0x21: {  	s3 =	sadd.s32 s3, s9;
	s6 =	sadd.s32 @!p0 $0x88, s6;
	s7 =	simm.s32 @p2 $0x1082  }
0x22: {  	[simem:s7], [sflag:s8] =	dma.local @!p0 [hbm:s6], $0xF7A  }
0x23: {  	s9 =	sor.u32 $0xD0000000, s2;
	s6 =	simm.s32 $0x108;
	_ =	swait.ge @!p0 [sflag:s8], $0x0  }
0x24: {  	s3 =	sadd.s32 $0x88, s3;
	s6 =	simm.s32 @!p1 $0x1082;
	[sflag:s4] =	ssyncset.s32 $0xFFFFF086  }
0x25: {  	[simem:s6], [sflag:s4] =	dma.local [hbm:s3], $0xF7A  }
0x26: {  	[smem:$0x3F9E] =	sst s1;
	(tag) =	ssettag s2;
	_ =	strace s9  }
0x27: {  	s1 =	sld [smem:$0x3FAE]  }
0x28: {  	s2 =	sld [smem:$0x3FAF]  }
0x29: {  	s4 =	sld [smem:$0x3FB1]  }
0x2a: {  	p0 =	seq.s32 s5, $0x0;
	s5 =	sld [smem:$0x3FB2]  }
0x2b: {  	s6 =	sld [smem:$0x3FB3]  }
0x2c: {  	s7 =	sld [smem:$0x3FB4]  }
0x2d: {  	s3 =	simm.s32 $0x108;
	s8 =	sld [smem:$0x3FB5]  }
0x2e: {  	s3 =	simm.s32 @!p0 $0x1082;
	s9 =	sld [smem:$0x3FB6]  }
0x2f: {  	lr =	sadd.s32 s0, s3;
	s0 =	sld [smem:$0x3FAD]  }
0x30: {  	s3 =	sld [smem:$0x3FB0]  }
0x31: {  	[smem:$0x3FB9] =	sst s10  }
0x32: {  	s10 =	sld [smem:$0x3FB7];
	_ =	sdelay $0x3  }
0x33: {  	p0 =	seq.s32 s10, $0x1;
	s10 =	sld [smem:$0x3FB9];
	_ =	sdelay $0x3  }
0x34: {  	[smem:$0x3FB9] =	sst s10  }
0x35: {  	s10 =	sld [smem:$0x3FB8];
	_ =	sdelay $0x3  }
0x36: {  	p1 =	seq.s32 s10, $0x1;
	s10 =	sld [smem:$0x3FB9];
	_ =	sdelay $0x3  }
0x37: {  	[smem:$0x3FB9] =	sst s10  }
0x38: {  	s10 =	sld [smem:$0x3FBA]  }
0x39: {  	_ = 	snop;
	(pc) =	sbr.ind lr, $3  }
0x3a: {  	_ = 	snop  }
0x3b: {  	_ = 	snop  }
0x3c: {  	p2 =	seq.s32 s10, $0x1;
	s10 =	sld [smem:$0x3FB9]  }
0x3d: {  	_ =	shalt  }
0x3e: {  	_ =	shalt  }
0x3f: {  	_ =	shalt  }
0x40: {  	_ =	shalt  }
0x41: {  	_ =	shalt  }
0x42: {  	_ =	shalt  }
0x43: {  	_ =	shalt  }
0x44: {  	_ =	shalt  }
0x45: {  	_ =	shalt  }
0x46: {  	_ =	shalt  }
0x47: {  	_ =	shalt  }
0x48: {  	_ =	shalt  }
0x49: {  	_ =	shalt  }
0x4a: {  	_ =	shalt  }
0x4b: {  	_ =	shalt  }
0x4c: {  	_ =	shalt  }
0x4d: {  	_ =	shalt  }
0x4e: {  	_ =	shalt  }
0x4f: {  	_ =	shalt  }
0x50: {  	_ =	shalt  }
0x51: {  	_ =	shalt  }
0x52: {  	_ =	shalt  }
0x53: {  	_ =	shalt  }
0x54: {  	_ =	shalt  }
0x55: {  	_ =	shalt  }
0x56: {  	_ =	shalt  }
0x57: {  	_ =	shalt  }
0x58: {  	_ =	shalt  }
0x59: {  	_ =	shalt  }
0x5a: {  	_ =	shalt  }
0x5b: {  	_ =	shalt  }
0x5c: {  	_ =	shalt  }
0x5d: {  	_ =	shalt  }
0x5e: {  	_ =	shalt  }
0x5f: {  	_ =	shalt  }
0x60: {  	_ =	shalt  }
0x61: {  	_ =	shalt  }
0x62: {  	_ =	shalt  }
0x63: {  	_ =	shalt  }
0x64: {  	_ =	shalt  }
0x65: {  	_ =	shalt  }
0x66: {  	_ =	shalt  }
0x67: {  	_ =	shalt  }
0x68: {  	_ =	shalt  }
0x69: {  	_ =	shalt  }
0x6a: {  	_ =	shalt  }
0x6b: {  	_ =	shalt  }
0x6c: {  	_ =	shalt  }
0x6d: {  	_ =	shalt  }
0x6e: {  	_ =	shalt  }
0x6f: {  	_ =	shalt  }
0x70: {  	_ =	shalt  }
0x71: {  	_ =	shalt  }
0x72: {  	_ =	shalt  }
0x73: {  	_ =	shalt  }
0x74: {  	_ =	shalt  }
0x75: {  	_ =	shalt  }
0x76: {  	_ =	shalt  }
0x77: {  	_ =	shalt  }
0x78: {  	_ =	shalt  }
0x79: {  	_ =	shalt  }
0x7a: {  	_ =	shalt  }
0x7b: {  	_ =	shalt  }
0x7c: {  	_ =	shalt  }
0x7d: {  	_ =	shalt  }
0x7e: {  	_ =	shalt  }
0x7f: {  	_ =	shalt  }
0x80: {  	_ =	shalt  }
0x81: {  	_ =	shalt  }
0x82: {  	_ =	shalt  }
0x83: {  	_ =	shalt  }
0x84: {  	_ =	shalt  }
0x85: {  	_ =	shalt  }
0x86: {  	_ =	shalt  }
0x87: {  	_ =	shalt  }
.Lfunc_end0:
.L_simem_size_0:
called_computation_lowered:
.L_overlay_start_0:
0x88: {  	s2 =	sld [smem:$0x3FD9]  }
0x89: {  	s3 =	sld [smem:$0x3FFE];
	_ =	sdelay $0x1  }
0x8a: {  	s1 =	srdreg.scid  }
0x8b: {  	s0 =	sand.u32 $0x1, s1  }
0x8c: {  	s17 =	sshll.u32 s0, $0xA;
	s2 =	sadd.s32 s3, s2  }
0x8d: {  	s2 =	sadd.s32 s2, s17  }
0x8e: {  	[smem:$0x3FC5] =	sst s2  }
0x8f: {  	_ = 	snop  }
0x90: {  	s2 =	sld [smem:$0x3FC8]  }
0x91: {  	s18 =	sld [smem:$0x3FD0];
	(tm) =	ssettm $0x1  }
0x92: {  	s4 =	sld [smem:$0x3FFB];
	_ =	sdelay $0x3  }
0x93: {  	_ =	strace s4  }
0x94: {  	s4 =	sld [smem:$0x3FFC];
	_ =	sdelay $0x3  }
0x95: {  	_ =	strace s4  }
0x96: {  	s4 =	sld [smem:$0x3FFD];
	_ =	sdelay $0x3  }
0x97: {  	_ =	strace s4  }
0x98: {  	_ =	strace $0x8FFFFFFF  }
0x99: {  	s19 =	sld [smem:$0x3FDB];
	_ =	sdelay $0x1  }
0x9a: {  	s5 =	simm.s32 $_scs_section_size  }
0x9b: {  	s6 =	simm.s32 $_size__tile_overlayer_lowered;
	s7 =	simm.s32 $_tile_overlayer_lowered  }
0x9c: {  	s22 =	simm.s32 $0x1BFF;
	s21 =	sshll.u32 s7, $0x1;
	s4 =	sadd.s32 s5, s19  }
0x9d: {  	s8 =	simm.s32 $0x0;
	s20 =	sshll.u32 s6, $0x1;
	s6 =	sadd.s32 s21, s4  }
0x9e: {  	[timem:s8], [sflag:s22] =	dma.local [hbm:s6], s20  }
0x9f: {  	_ =	swait.ge [sflag:s22], s20  }
0xa0: {  	s5 =	ssub.s32 $0x0, s20;
	[sflag:s22] =	ssyncset.done $0x0  }
0xa1: {  	[sflag:s22] =	ssyncadd.s32 s5;
	_ =	sdelay $0x1  }
0xa2: {  	s23 =	simm.s32 $0x1B8B  }
0xa3: {  	_ =	swait.ge [sflag:s23], $0x1  }
0xa4: {  	[sflag:s23] =	ssyncset.done $0x0  }
0xa5: {  	s25 =	simm.s32 $0x1B8E;
	s24 =	sld [smem:$0x3FFE];
	[sflag:s23] =	ssyncadd.s32 $0xFFFFFFFF  }
0xa6: {  	s26 =	simm.s32 $execute0_lowered;
	[smem:$0x3FD2] =	sst s25  }
0xa7: {  	s6 =	sshll.u32 s26, $0x1;
	_ =	strace $0x80000046;
	[dreg:$0x1] =	wrdreg $0xFFFFFFFF  }
0xa8: {  	s28 =	simm.s32 $_size_execute0_lowered;
	s4 =	sadd.s32 s4, s6;
	[dreg:$0x0] =	wrdreg $0x0  }
0xa9: {  	s6 =	sshll.u32 s28, $0x1;
	[dreg:$0x2] =	wrdreg s4  }
0xaa: {  	[dreg:$0x3] =	wrdreg s6  }
0xab: {  	[dreg:$0x4] =	wrdreg $0xC0  }
0xac: {  	_ =	task [dreg:s8], $0x5FFFF  }
0xad: {  	[dreg:$0x1] =	wrdreg $0xFFFFFFFF  }
0xae: {  	[dreg:$0x0] =	wrdreg $0x60  }
0xaf: {  	[dreg:$0x2] =	wrdreg s24  }
0xb0: {  	[dreg:$0x3] =	wrdreg s2  }
0xb1: {  	[dreg:$0x4] =	wrdreg s18  }
0xb2: {  	[dreg:$0x5] =	wrdreg $0xC1800  }
0xb3: {  	[dreg:$0x6] =	wrdreg $0x9  }
0xb4: {  	_ =	task.clear_ibuf [dreg:s8], $0x7FFFF;
	_ =	strace $0x90000046  }
0xb5: {  	s29 =	simm.s32 $0x9;
	_ =	strace $0x80000048  }
0xb6: {  	_ =	swait.ge [sflag:s29], $0x1  }
0xb7: {  	[sflag:s29] =	ssyncadd.s32 $0xFFFFFFFF  }
0xb8: {  	_ =	strace $0x90000048  }
0xb9: {  	_ =	sfence  }
0xba: {  	s30 =	sld [smem:$0x0];
	_ =	sdelay $0x2  }
0xbb: {  	s31 =	sshll.u32 s1, $0xD;
	s1 =	sshrl.u32 s1, $0x2  }
0xbc: {  	s3 =	sand.u32 $0x4000, s31;
	s1 =	sadd.s32 s1, s30  }
0xbd: {  	s0 =	sor.u32 s3, s0;
	s1 =	sshll.u32 s1, $0x11  }
0xbe: {  	s0 =	sor.u32 s1, s0  }
0xbf: {  	s0 =	sadd.s32 $0x8F2B, s0  }
0xc0: {  	[sflag:s0] =	ssyncadd.remote.s32 $0x1  }
0xc1: {  	_ =	sfence.sel $0xFFFF  }
0xc2: {  	[dreg:$0x0] =	wrdreg $0xFFFFFFFF;
	(pc) =	sbr.abs _section_cstart, $3  }
0xc3: {  	[dreg:$0x1] =	wrdreg $0xFFFFFFFF  }
0xc4: {  	_ =	task.clear_ibuf [dreg:s8], $0x2FFFF;
	_ =	strace $0x9FFFFFFF  }
0xc5: {  	(tm) =	ssettm $0x7FFFFFFF  }
tec
execute0_lowered:
.L_overlay_start_1:
0x0: {  	(tag) =	ssettag $0x1  }
0x1: {  	s0 =	rddreg [dreg:$0x0]  }
0x2: {  	s2 =	rddreg [dreg:$0x1]  }
0x3: {  	s1 =	rddreg [dreg:$0x2]  }
0x4: {  	s3 =	rddreg [dreg:$0x3];
	s14 =	stileid.u32  }
0x5: {  	s4 =	srdreg.scid;
	s28 =	simm.s32 $0x2;
	s29 =	simm.s32 $0x4180  }
0x6: {  	s30 =	simm.s32 $0x4;
	s31 =	simm.s32 $0x3;
	s7 =	smul.u32 $0x2700, s14  }
0x7: {  	s5 =	sand.u32 $0x1, s4;
	s6 =	sshll.u32 s14, $0x1;
	s13 =	smul.u32 $0x4E000, s14  }
0x8: {  	s4 =	simm.s32 $0x0;
	s23 =	sshll.u32 s14, $0x6;
	s19 =	smul.u32 $0x4E20, s14  }
0x9: {  	p0 =	sne.s32 s14, $0xF;
	s6 =	sor.u32 s5, s6;
	[smem:$0x7FF] =	sst s4  }
0xa: {  	s8 =	ssub.s32 $0x2, s5;
	s10 =	smul.u32 $0x2710, s6;
	_ =	strace $0x80000047  }
0xb: {  	s7 =	sadd.s32 s7, s0;
	s9 =	sshrl.u32 s8, $0x1;
	s24 =	smul.u32 $0x27100, s6  }
0xc: {  	s22 =	sshrl.u32 s13, $0x2;
	s0 =	sadd.s32 $0x27A00, s0;
	s6 =	smul.u32 $0x138800, s6  }
0xd: {  	s8 =	ssub.s32 s8, s9;
	s7 =	sadd.s32 $0xA00, s7;
	[dreg:$0xc] =	wrdreg s0  }
0xe: {  	s11 =	sshrl.u32 s10, $0x3;
	s12 =	sadd.s32 $0x80, s10;
	[dreg:$0xb] =	wrdreg s7  }
0xf: {  	s7 =	sadd.s32 $0x138000, s3;
	s25 =	sadd.s32 s1, s24;
	s16 =	sadd.s32 $0x300, s10  }
0x10: {  	s18 =	sadd.s32 $0x380, s10;
	s6 =	sshrl.u32 s6, $0x3;
	s10 =	sadd.s32 $0x2700, s10  }
0x11: {  	s24 =	smul.u32 $0x4E200, s14;
	s15 =	sadd.s32 s2, s11;
	[dreg:$0xd] =	wrdreg s25  }
0x12: {  	s20 =	sshrl.u32 s12, $0x3;
	s11 =	sadd.s32 s22, s3;
	[dreg:$0x5] =	wrdreg s16  }
0x13: {  	s13 =	sshll.u32 s12, $0x4;
	s6 =	sadd.s32 s1, s6;
	[dreg:$0x6] =	wrdreg s18  }
0x14: {  	s22 =	sshrl.u32 s10, $0x3;
	s10 =	sshll.u32 s10, $0x4;
	s25 =	smax.u32 s8, $0x1  }
0x15: {  	s8 =	simm.s32 $0x8;
	s9 =	sadd.s32 s2, s20;
	[dreg:$0x8] =	wrdreg s15  }
0x16: {  	s21 =	sadd.s32 $0x20, s15;
	s26 =	sadd.s32 $0x30, s15;
	[dreg:$0x14] =	wrdreg s25  }
0x17: {  	s0 =	sadd.s32 s1, s13;
	s20 =	smul.u32 $0x2710, s5;
	[dreg:$0x9] =	wrdreg s9  }
0x18: {  	s17 =	sadd.s32 $0x40, s15;
	s5 =	smul.u32 $0x27100, s5;
	[dreg:$0xa] =	wrdreg s21  }
0x19: {  	s10 =	sadd.s32 s1, s10;
	s1 =	sadd.s32 s24, s1;
	[dreg:$0xe] =	wrdreg s26  }
0x1a: {  	s24 =	sshrl.u32 @!p0 s7, $0x3;
	s25 =	simm.s32 $0x1;
	[dreg:$0xf] =	wrdreg s0  }
0x1b: {  	s7 =	simm.s32 $0x6;
	s9 =	sor.u32 $0x1C0A, s23;
	[dreg:$0x10] =	wrdreg s17  }
0x1c: {  	s21 =	sadd.s32 $0x26800, s6;
	s0 =	sadd.s32 s2, s22;
	[dreg:$0x13] =	wrdreg s10  }
0x1d: {  	s22 =	sshrl.u32 s11, $0x3;
	s6 =	simm.s32 $0x7;
	[dreg:$0x11] =	wrdreg s21  }
0x1e: {  	s10 =	simm.s32 $0x9;
	s11 =	simm.s32 $0x0;
	[dreg:$0x12] =	wrdreg s0  }
0x1f: {  	s23 =	sadd.s32 s20, s19;
	s26 =	sadd.s32 s5, s1;
	s20 =	simm.s32 $0x80  }
0x20: {  	s21 =	simm.s32 $0x100;
	s1 =	simm.s32 $0x5;
	s0 =	sadd.s32 $0x280, s23  }
0x21: {  	[dreg:$0x7] =	wrdreg s26;
	s23 =	simm.s32 $0xA;
	s0 =	sshrl.u32 s0, $0x3  }
0x22: {  	s26 =	simm.s32 $0x180;
	s19 =	sadd.s32 s0, s2;
	s0 =	simm.s32 $0x8180  }
.LBB2_1:
0x23: {  	s5 =	rddreg [dreg:$0x8]  }
0x24: {  	s17 =	rddreg [dreg:$0x9]  }
0x25: {  	[tilespmem:s4], [sflag:$0x1] =	stream.linear.gather [hbm4b:s5+s4], $0x80, $0x38;
	[tilespmem:$0x1FA00] =	vst v63  }
0x26: {  	s18 =	rddreg [dreg:$0xa]  }
0x27: {  	[tilespmem:s20], [sflag:$0x2] =	stream.linear.gather [hbm4b:s17+s4], $0x80, $0x38;
	[tilespmem:$0x1FA00] =	vst v63  }
0x28: {  	s12 =	rddreg [dreg:$0xb]  }
0x29: {  	[tilespmem:s21], [sflag:$0x3] =	stream.linear.gather [hbm4b:s18+s4], $0x80, $0x38;
	[tilespmem:$0x1FA00] =	vst v63  }
0x2a: {  	[spmem:s22], [sflag:s9] =	dma.local [hbm:s12], $0x2700  }
0x2b: {  	_ =	swait.ge [sflag:s23], $0x2700  }
0x2c: {  	[sflag:s23] =	ssyncset.done $0x0  }
0x2d: {  	s5 =	rddreg [dreg:$0xc];
	[sflag:s23] =	ssyncadd.s32 $0xFFFFD900  }
0x2e: {  	[spmem:s24], [sflag:s9] =	dma.local @!p0 [hbm:s5], $0x100  }
0x2f: {  	s5 =	simm.s32 @!p0 $0xA  }
0x30: {  	_ =	swait.ge @!p0 [sflag:s5], $0x100  }
0x31: {  	[sflag:s5] =	ssyncset.done @!p0 $0x0  }
0x32: {  	[sflag:s5] =	ssyncadd.s32 @!p0 $0xFFFFFF00  }
0x33: {  	[bflag:$0x0] =	sbarrier.arrive $0xFFFF  }
0x34: {  	_ =	swait.ge [sflag:s25], $0x80  }
0x35: {  	[sflag:s25] =	ssyncset.done $0x0  }
0x36: {  	[sflag:s25] =	ssyncadd.s32 $0xFFFFFF80  }
0x37: {  	[tilespmem:s26], [sflag:$0x4] =	stream.indirect.gather [spmem:s3], $0x80, s4, s20, $0xb8;
	[tilespmem:$0x1FA00] =	vst v63  }
0x38: {  	_ =	swait.ge [sflag:s28], $0x80  }
0x39: {  	[sflag:s28] =	ssyncset.done $0x0  }
0x3a: {  	[sflag:s28] =	ssyncadd.s32 $0xFFFFFF80  }
0x3b: {  	[tilespmem:s29], [sflag:$0x5] =	stream.indirect.gather [spmem:s3], $0x80, s20, s20, $0xb8;
	[tilespmem:$0x1FA00] =	vst v63  }
0x3c: {  	_ =	swait.ge [sflag:s30], $0x4000  }
0x3d: {  	[sflag:s30] =	ssyncset.done $0x0  }
0x3e: {  	s13 =	rddreg [dreg:$0xd];
	[sflag:s30] =	ssyncadd.s32 $0xFFFFC000  }
0x3f: {  	[hbm4b:s13+s4] =	stream.linear.scatter [tilespmem:s26], [sflag:$0x7], $0x4000, $0x38;
	[tilespmem:$0x1FA00] =	vst v63  }
0x40: {  	s14 =	rddreg [dreg:$0xe]  }
0x41: {  	[tilespmem:s4], [sflag:$0x1] =	stream.linear.gather [hbm4b:s14+s4], $0x80, $0x38;
	[tilespmem:$0x1FA00] =	vst v63  }
0x42: {  	_ =	swait.ge [sflag:s31], $0x80  }
0x43: {  	[sflag:s31] =	ssyncset.done $0x0  }
0x44: {  	[sflag:s31] =	ssyncadd.s32 $0xFFFFFF80  }
0x45: {  	[tilespmem:s0], [sflag:$0x6] =	stream.indirect.gather [spmem:s3], $0x80, s21, s20, $0xb8;
	[tilespmem:$0x1FA00] =	vst v63  }
0x46: {  	_ =	swait.ge [sflag:s1], $0x4000  }
0x47: {  	[sflag:s1] =	ssyncset.done $0x0  }
0x48: {  	s15 =	rddreg [dreg:$0xf];
	[sflag:s1] =	ssyncadd.s32 $0xFFFFC000  }
0x49: {  	[hbm4b:s15+s4] =	stream.linear.scatter [tilespmem:s29], [sflag:$0x8], $0x4000, $0x38;
	[tilespmem:$0x1FA00] =	vst v63  }
0x4a: {  	s16 =	rddreg [dreg:$0x10]  }
0x4b: {  	[tilespmem:s20], [sflag:$0x2] =	stream.linear.gather [hbm4b:s16+s4], $0x80, $0x38;
	[tilespmem:$0x1FA00] =	vst v63  }
0x4c: {  	_ =	swait.ge [sflag:s25], $0x80  }
0x4d: {  	[sflag:s25] =	ssyncset.done $0x0  }
0x4e: {  	[sflag:s25] =	ssyncadd.s32 $0xFFFFFF80  }
0x4f: {  	_ =	swait.ge [sflag:s6], $0x4000  }
0x50: {  	[sflag:s6] =	ssyncset.done $0x0  }
0x51: {  	[sflag:s6] =	ssyncadd.s32 $0xFFFFC000  }
0x52: {  	[tilespmem:s26], [sflag:$0x4] =	stream.indirect.gather [spmem:s3], $0x80, s4, s20, $0xb8;
	[tilespmem:$0x1FA00] =	vst v63  }
0x53: {  	_ =	swait.ge [sflag:s7], $0x4000  }
0x54: {  	s17 =	rddreg [dreg:$0x7]  }
0x55: {  	[sflag:s7] =	ssyncset.done $0x0;
	s5 =	sadd.s32 $0x0, s17  }
0x56: {  	[sflag:s7] =	ssyncadd.s32 $0xFFFFC000;
	s12 =	sadd.s32 $0x1000, s5  }
0x57: {  	[hbm4b:s12+s4] =	stream.linear.scatter [tilespmem:s0], [sflag:$0x9], $0x4000, $0x38;
	[tilespmem:$0x1FA00] =	vst v63  }
0x58: {  	_ = 	snop  }
0x59: {  	[tilespmem:s21], [sflag:$0x3] =	stream.linear.gather [hbm4b:s19+s4], $0x80, $0x38;
	[tilespmem:$0x1FA00] =	vst v63  }
0x5a: {  	_ =	swait.ge [sflag:s28], $0x80  }
0x5b: {  	[sflag:s28] =	ssyncset.done $0x0  }
0x5c: {  	[sflag:s28] =	ssyncadd.s32 $0xFFFFFF80  }
0x5d: {  	_ =	swait.ge [sflag:s8], $0x4000  }
0x5e: {  	[sflag:s8] =	ssyncset.done $0x0  }
0x5f: {  	[sflag:s8] =	ssyncadd.s32 $0xFFFFC000  }
0x60: {  	[tilespmem:s29], [sflag:$0x5] =	stream.indirect.gather [spmem:s3], $0x80, s20, s20, $0xb8;
	[tilespmem:$0x1FA00] =	vst v63  }
0x61: {  	s18 =	smin.u32 s4, $0x47;
	_ =	swait.ge [sflag:s30], $0x4000  }
0x62: {  	s12 =	sshll.u32 s18, $0x7;
	[sflag:s30] =	ssyncset.done $0x0;
	s13 =	rddreg [dreg:$0x5]  }
0x63: {  	s14 =	sadd.s32 $0x1800, s5;
	[sflag:s30] =	ssyncadd.s32 $0xFFFFC000;
	s12 =	sadd.s32 s12, s13  }
0x64: {  	[hbm4b:s14+s4] =	stream.linear.scatter [tilespmem:s26], [sflag:$0x7], $0x4000, $0x38;
	[tilespmem:$0x1FA00] =	vst v63  }
0x65: {  	s12 =	sshrl.u32 s12, $0x3  }
0x66: {  	s12 =	sadd.s32 s2, s12  }
0x67: {  	[tilespmem:s4], [sflag:$0x1] =	stream.linear.gather [hbm4b:s12+s4], $0x80, $0x38;
	[tilespmem:$0x1FA00] =	vst v63  }
0x68: {  	_ =	swait.ge [sflag:s31], $0x80  }
0x69: {  	[sflag:s31] =	ssyncset.done $0x0  }
0x6a: {  	[sflag:s31] =	ssyncadd.s32 $0xFFFFFF80  }
0x6b: {  	_ =	swait.ge [sflag:s10], $0x4000  }
0x6c: {  	s15 =	sadd.s32 $0x2000, s5;
	[sflag:s10] =	ssyncset.done $0x0  }
0x6d: {  	s5 =	smin.u32 s4, $0x46;
	s13 =	simm.s32 $0x3;
	[sflag:s10] =	ssyncadd.s32 $0xFFFFC000  }
0x6e: {  	[tilespmem:s0], [sflag:$0x6] =	stream.indirect.gather [spmem:s3], $0x80, s21, s20, $0xb8;
	[tilespmem:$0x1FA00] =	vst v63  }
0x6f: {  	s14 =	sadd.s32 $0x30, s19;
	s12 =	simm.s32 $0x1800;
	_ =	swait.ge [sflag:s1], $0x4000  }
.LBB2_2:
0x70: {  	[sflag:s1] =	ssyncset.done $0x0;
	s16 =	sshll.u32 s5, $0x7;
	s17 =	rddreg [dreg:$0x6]  }
0x71: {  	[sflag:s1] =	ssyncadd.s32 $0xFFFFC000;
	s17 =	sadd.s32 s16, s17  }
0x72: {  	[hbm4b:s15+s4] =	stream.linear.scatter [tilespmem:s29], [sflag:$0x8], $0x4000, $0x38;
	[tilespmem:$0x1FA00] =	vst v63  }
0x73: {  	s15 =	sshrl.u32 s17, $0x3  }
0x74: {  	s15 =	sadd.s32 s2, s15  }
0x75: {  	[tilespmem:s20], [sflag:$0x2] =	stream.linear.gather [hbm4b:s15+s4], $0x80, $0x38;
	[tilespmem:$0x1FA00] =	vst v63  }
0x76: {  	_ =	swait.ge [sflag:s25], $0x80  }
0x77: {  	[sflag:s25] =	ssyncset.done $0x0  }
0x78: {  	[sflag:s25] =	ssyncadd.s32 $0xFFFFFF80  }
0x79: {  	_ =	swait.ge [sflag:s6], $0x4000  }
0x7a: {  	[sflag:s6] =	ssyncset.done $0x0  }
0x7b: {  	[sflag:s6] =	ssyncadd.s32 $0xFFFFC000  }
0x7c: {  	[tilespmem:s26], [sflag:$0x4] =	stream.indirect.gather [spmem:s3], $0x80, s4, s20, $0xb8;
	[tilespmem:$0x1FA00] =	vst v63  }
0x7d: {  	_ =	swait.ge [sflag:s7], $0x4000  }
0x7e: {  	s18 =	smov.u32 s12;
	s16 =	rddreg [dreg:$0x7]  }
0x7f: {  	[sflag:s7] =	ssyncset.done $0x0;
	s15 =	sadd.s32 s18, s16  }
0x80: {  	[sflag:s7] =	ssyncadd.s32 $0xFFFFC000;
	s17 =	sadd.s32 $0x1000, s15  }
0x81: {  	[hbm4b:s17+s4] =	stream.linear.scatter [tilespmem:s0], [sflag:$0x9], $0x4000, $0x38;
	[tilespmem:$0x1FA00] =	vst v63  }
0x82: {  	_ = 	snop  }
0x83: {  	[tilespmem:s21], [sflag:$0x3] =	stream.linear.gather [hbm4b:s14+s4], $0x80, $0x38;
	[tilespmem:$0x1FA00] =	vst v63  }
0x84: {  	_ =	swait.ge [sflag:s28], $0x80  }
0x85: {  	[sflag:s28] =	ssyncset.done $0x0  }
0x86: {  	[sflag:s28] =	ssyncadd.s32 $0xFFFFFF80  }
0x87: {  	_ =	swait.ge [sflag:s8], $0x4000  }
0x88: {  	[sflag:s8] =	ssyncset.done $0x0  }
0x89: {  	[sflag:s8] =	ssyncadd.s32 $0xFFFFC000  }
0x8a: {  	[tilespmem:s29], [sflag:$0x5] =	stream.indirect.gather [spmem:s3], $0x80, s20, s20, $0xb8;
	[tilespmem:$0x1FA00] =	vst v63  }
0x8b: {  	s18 =	smin.u32 s13, $0x47;
	_ =	swait.ge [sflag:s30], $0x4000  }
0x8c: {  	s16 =	sshll.u32 s18, $0x7;
	[sflag:s30] =	ssyncset.done $0x0;
	s17 =	rddreg [dreg:$0x5]  }
0x8d: {  	s18 =	sadd.s32 $0x1800, s15;
	[sflag:s30] =	ssyncadd.s32 $0xFFFFC000;
	s16 =	sadd.s32 s16, s17  }
0x8e: {  	[hbm4b:s18+s4] =	stream.linear.scatter [tilespmem:s26], [sflag:$0x7], $0x4000, $0x38;
	[tilespmem:$0x1FA00] =	vst v63  }
0x8f: {  	s16 =	sshrl.u32 s16, $0x3  }
0x90: {  	s16 =	sadd.s32 s2, s16  }
0x91: {  	[tilespmem:s4], [sflag:$0x1] =	stream.linear.gather [hbm4b:s16+s4], $0x80, $0x38;
	[tilespmem:$0x1FA00] =	vst v63  }
0x92: {  	_ =	swait.ge [sflag:s31], $0x80  }
0x93: {  	[sflag:s31] =	ssyncset.done $0x0  }
0x94: {  	p1 =	sne.s32 s12, $0x24000;
	[sflag:s31] =	ssyncadd.s32 $0xFFFFFF80  }
.Ltmp0:
0x95: {  	_ =	swait.ge [sflag:s10], $0x4000;
	(pc) =	sbr.rel @p1 .LBB2_2-.Ltmp0, $4  }
0x96: {  	s5 =	smov.u32 s13;
	s12 =	sadd.s32 $0x1800, s12;
	[sflag:s10] =	ssyncset.done $0x0  }
0x97: {  	s5 =	smin.u32 s5, $0x46;
	s13 =	sadd.s32 $0x3, s13;
	[sflag:s10] =	ssyncadd.s32 $0xFFFFC000  }
0x98: {  	[tilespmem:s0], [sflag:$0x6] =	stream.indirect.gather [spmem:s3], $0x80, s21, s20, $0xb8;
	[tilespmem:$0x1FA00] =	vst v63  }
0x99: {  	s15 =	sadd.s32 $0x2000, s15;
	s14 =	sadd.s32 $0x30, s14;
	_ =	swait.ge [sflag:s1], $0x4000  }
0x9a: {  	[sflag:s1] =	ssyncset.done $0x0;
	s12 =	rddreg [dreg:$0x6];
	s5 =	sshll.u32 s5, $0x7  }
0x9b: {  	[sflag:s1] =	ssyncadd.s32 $0xFFFFC000;
	s5 =	sadd.s32 s5, s12  }
0x9c: {  	[hbm4b:s15+s4] =	stream.linear.scatter [tilespmem:s29], [sflag:$0x8], $0x4000, $0x38;
	[tilespmem:$0x1FA00] =	vst v63  }
0x9d: {  	s5 =	sshrl.u32 s5, $0x3  }
0x9e: {  	s5 =	sadd.s32 s2, s5  }
0x9f: {  	[tilespmem:s20], [sflag:$0x2] =	stream.linear.gather [hbm4b:s5+s4], $0x80, $0x38;
	[tilespmem:$0x1FA00] =	vst v63  }
0xa0: {  	_ =	swait.ge [sflag:s7], $0x4000  }
0xa1: {  	[sflag:s7] =	ssyncset.done $0x0  }
0xa2: {  	s14 =	rddreg [dreg:$0x11];
	[sflag:s7] =	ssyncadd.s32 $0xFFFFC000  }
0xa3: {  	[hbm4b:s14+s4] =	stream.linear.scatter [tilespmem:s0], [sflag:$0x9], $0x4000, $0x38;
	[tilespmem:$0x1FA00] =	vst v63  }
0xa4: {  	_ =	swait.ge [sflag:s25], $0x80  }
0xa5: {  	[sflag:s25] =	ssyncset.done $0x0  }
0xa6: {  	s15 =	rddreg [dreg:$0x12];
	[sflag:s25] =	ssyncadd.s32 $0xFFFFFF80  }
0xa7: {  	[tilespmem:s4], [sflag:$0x1] =	stream.linear.gather [hbm4b:s15+s4], $0x10, $0x38;
	[tilespmem:$0x1FA00] =	vst v63  }
0xa8: {  	_ =	swait.ge [sflag:s25], $0x10  }
0xa9: {  	[sflag:s25] =	ssyncset.done $0x0  }
0xaa: {  	[sflag:s25] =	ssyncadd.s32 $0xFFFFFFF0  }
0xab: {  	_ =	swait.ge [sflag:s6], $0x4000  }
0xac: {  	[sflag:s6] =	ssyncset.done $0x0  }
0xad: {  	s16 =	simm.s32 $0x10;
	[sflag:s6] =	ssyncadd.s32 $0xFFFFC000  }
0xae: {  	[tilespmem:s26], [sflag:$0x4] =	stream.indirect.gather [spmem:s3], $0x80, s4, s16, $0xb8;
	[tilespmem:$0x1FA00] =	vst v63  }
0xaf: {  	_ =	swait.ge [sflag:s30], $0x800  }
0xb0: {  	[sflag:s30] =	ssyncset.done $0x0  }
0xb1: {  	s17 =	rddreg [dreg:$0x13];
	[sflag:s30] =	ssyncadd.s32 $0xFFFFF800  }
0xb2: {  	[hbm4b:s17+s4] =	stream.linear.scatter [tilespmem:s26], [sflag:$0x7], $0x800, $0x38;
	[tilespmem:$0x1FA00] =	vst v63  }
0xb3: {  	_ =	swait.ge [sflag:s28], $0x80  }
0xb4: {  	[sflag:s28] =	ssyncset.done $0x0  }
0xb5: {  	[sflag:s28] =	ssyncadd.s32 $0xFFFFFF80  }
0xb6: {  	_ =	swait.ge [sflag:s8], $0x4000  }
0xb7: {  	[sflag:s8] =	ssyncset.done $0x0  }
0xb8: {  	[sflag:s8] =	ssyncadd.s32 $0xFFFFC000  }
0xb9: {  	_ =	swait.ge [sflag:s10], $0x4000  }
0xba: {  	[sflag:s10] =	ssyncset.done $0x0  }
0xbb: {  	[sflag:s10] =	ssyncadd.s32 $0xFFFFC000  }
0xbc: {  	_ =	swait.ge [sflag:s6], $0x800  }
0xbd: {  	s11 =	sadd.s32 $0x1, s11;
	s18 =	rddreg [dreg:$0x14]  }
0xbe: {  	p1 =	sne.s32 s11, s18  }
.Ltmp1:
0xbf: {  	_ = 	snop;
	(pc) =	sbr.rel @p1 .LBB2_1-.Ltmp1, $3  }
0xc0: {  	_ =	sdelay $0x1  }
0xc1: {  	[sflag:s6] =	ssyncset.done $0x0  }
0xc2: {  	[sflag:s6] =	ssyncadd.s32 $0xFFFFF800  }
0xc3: {  	_ =	sfence.sel $0x180000  }
0xc4: {  	[bflag:$0x0] =	sbarrier.arrive $0xFFFF  }
0xc5: {  	_ =	strace $0x90000047  }
0xc6: {  	s0 =	stileid.u32;
	[bflag:$0x2] =	sbarrier.arrive $0xFFFF  }
0xc7: {  	p0 =	sne.s32 s0, $0x0;
	s0 =	rddreg [dreg:$0x4]  }
0xc8: {  	s0 =	sadd.s32 @!p0 $0x100000, s0  }
0xc9: {  	[sflag:s0] =	ssyncadd.tile.s32 @!p0 $0x1;
	_ =	shalt  }
.Lfunc_end2:
_tile_overlayer_lowered:
.L_overlay_start_2:
0xca: {  	(tag) =	ssettag $0x2  }
0xcb: {  	s0 =	rddreg [dreg:$0x0];
	s2 =	stileid.u32  }
0xcc: {  	s1 =	rddreg [dreg:$0x1];
	p0 =	sne.s32 s2, $0x0  }
0xcd: {  	s3 =	rddreg [dreg:$0x2];
	[bflag:$0x3] =	sbarrier.arrive $0xFFFF;
	s2 =	simm.s32 @!p0 $0x1C0A  }
0xce: {  	[timem:s3], [sflag:s2] =	dma.local @!p0 [hbm:s0], s1  }
0xcf: {  	s0 =	simm.s32 @!p0 $0xA  }
0xd0: {  	_ =	swait.ge @!p0 [sflag:s0], s1  }
0xd1: {  	s1 =	ssub.s32 @!p0 $0x0, s1;
	[sflag:s0] =	ssyncset.done @!p0 $0x0  }
0xd2: {  	[sflag:s0] =	ssyncadd.s32 @!p0 s1  }
0xd3: {  	[bflag:$0x3] =	sbarrier.arrive $0xFFFF  }
0xd4: {  	_ =	shalt  }

</sc_bundles>
